<compile_context>
chip_gen: v7x
topology: tpu7x:2x2x1
jax: 0.10.2.dev20260603
libtpu: 0.0.44.dev20260713+nightly
codegen_flags: <defaults>
</compile_context>

<pallas_src>
import functools

import jax
import jax.numpy as jnp
from jax import lax
from jax.experimental import pallas as pl
from jax.experimental.pallas import tpu as pltpu
from jax.experimental.pallas import tpu_sc as plsc

_N = 10000
_D = 128
_NT = 10240
_NW = 32
_EPW = 10368
_EPAD = _EPW * _NW
_CH = 128
_NCHUNK = _EPW // _CH
_AROWS = _NT
_DUMMY = _N


def _sc_mesh():
    return plsc.VectorSubcoreMesh(core_axis_name="c", subcore_axis_name="s")


def _sc_degree(src, dst):
    nz = _NT // 16

    @functools.partial(
        pl.kernel,
        out_type=[jax.ShapeDtypeStruct((2 * _NT,), jnp.float32),
                  jax.ShapeDtypeStruct((2 * _NT,), jnp.float32)],
        mesh=_sc_mesh(),
        scratch_types=[
            pltpu.VMEM((_CH,), jnp.int32),
            pltpu.VMEM((_CH,), jnp.int32),
            pltpu.VMEM((_CH,), jnp.float32),
            pltpu.VMEM((nz,), jnp.float32),
            pltpu.VMEM_SHARED((_NT,), jnp.float32),
            pltpu.VMEM_SHARED((_NT,), jnp.float32),
        ],
    )
    def k(src_hbm, dst_hbm, osrc_hbm, odst_hbm, sidx, didx, ones, zvec,
          hsrc, hdst):
        c = lax.axis_index("c")
        s = lax.axis_index("s")
        wid = c * 16 + s

        def fill(i, carry):
            ones[pl.ds(i * 16, 16)] = jnp.ones((16,), jnp.float32)
            return carry

        lax.fori_loop(0, _CH // 16, fill, 0)

        def zfill(i, carry):
            zvec[pl.ds(i * 16, 16)] = jnp.zeros((16,), jnp.float32)
            return carry

        lax.fori_loop(0, nz // 16, zfill, 0)
        pltpu.sync_copy(zvec, hsrc.at[pl.ds(s * nz, nz)])
        pltpu.sync_copy(zvec, hdst.at[pl.ds(s * nz, nz)])
        plsc.subcore_barrier()

        def body(j, carry):
            base = wid * _EPW + j * _CH
            pltpu.sync_copy(src_hbm.at[pl.ds(base, _CH)], sidx)
            pltpu.sync_copy(dst_hbm.at[pl.ds(base, _CH)], didx)
            pltpu.sync_copy(ones, hsrc.at[sidx], add=True)
            pltpu.sync_copy(ones, hdst.at[didx], add=True)
            return carry

        lax.fori_loop(0, _NCHUNK, body, 0)
        plsc.subcore_barrier()
        pltpu.sync_copy(hsrc.at[pl.ds(s * nz, nz)],
                        osrc_hbm.at[pl.ds(c * _NT + s * nz, nz)])
        pltpu.sync_copy(hdst.at[pl.ds(s * nz, nz)],
                        odst_hbm.at[pl.ds(c * _NT + s * nz, nz)])

    return k(src, dst)


def _sc_aggregate(hs, src, dst):
    rpt = _AROWS // 16
    orow = _NT // 16

    @functools.partial(
        pl.kernel,
        out_type=jax.ShapeDtypeStruct((2, _NT, _D), jnp.float32),
        mesh=_sc_mesh(),
        scratch_types=[
            pltpu.VMEM((_CH,), jnp.int32),
            pltpu.VMEM((_CH,), jnp.int32),
            pltpu.VMEM((_CH, _D), jnp.float32),
            pltpu.VMEM((_CH, _D), jnp.float32),
            pltpu.VMEM_SHARED((_AROWS, _D), jnp.float32),
            pltpu.SemaphoreType.DMA,
        ],
    )
    def k(hs_hbm, src_hbm, dst_hbm, out_hbm, sidx, didx, rows, zbuf, acc, sem):
        c = lax.axis_index("c")
        s = lax.axis_index("s")
        wid = c * 16 + s

        def zfill(i, carry):
            for j in range(_D // 16):
                zbuf[i, pl.ds(j * 16, 16)] = jnp.zeros((16,), jnp.float32)
            return carry

        lax.fori_loop(0, _CH, zfill, 0)
        for t in range(rpt // _CH):
            pltpu.sync_copy(zbuf, acc.at[pl.ds(s * rpt + t * _CH, _CH), :])
        plsc.subcore_barrier()

        def body(j, carry):
            base = wid * _EPW + j * _CH
            pltpu.sync_copy(src_hbm.at[pl.ds(base, _CH)], sidx)
            pltpu.sync_copy(dst_hbm.at[pl.ds(base, _CH)], didx)
            pltpu.async_copy(hs_hbm.at[sidx], rows, sem).wait()
            pltpu.sync_copy(rows, acc.at[didx], add=True)
            return carry

        lax.fori_loop(0, _NCHUNK, body, 0)
        plsc.subcore_barrier()
        pltpu.sync_copy(acc.at[pl.ds(s * orow, orow), :],
                        out_hbm.at[c, pl.ds(s * orow, orow), :])

    return k(hs, src, dst)


_R = 1280


def _tc_prep(degT, feat_pad):

    def body(deg_ref, feat_ref, hs_ref, ns_ref, nd_ref):
        deg = deg_ref[...]
        dsrc = deg[:, 0:1] + deg[:, 2:3]
        ddst = deg[:, 1:2] + deg[:, 3:4]
        ns = lax.rsqrt(jnp.maximum(dsrc, 1.0))
        nd = lax.rsqrt(jnp.maximum(ddst, 1.0))
        ns_ref[...] = ns
        nd_ref[...] = nd
        hs_ref[...] = feat_ref[...] * ns

    return pl.pallas_call(
        body,
        grid=(_NT // _R,),
        in_specs=[pl.BlockSpec((_R, 4), lambda i: (i, 0)),
                  pl.BlockSpec((_R, _D), lambda i: (i, 0))],
        out_specs=[pl.BlockSpec((_R, _D), lambda i: (i, 0)),
                   pl.BlockSpec((_R, 1), lambda i: (i, 0)),
                   pl.BlockSpec((_R, 1), lambda i: (i, 0))],
        out_shape=[jax.ShapeDtypeStruct((_NT, _D), jnp.float32),
                   jax.ShapeDtypeStruct((_NT, 1), jnp.float32),
                   jax.ShapeDtypeStruct((_NT, 1), jnp.float32)],
    )(degT, feat_pad)


def _tc_layer(aggp, nd, ns, W, b, apply_relu):

    def body(aggp_ref, nd_ref, ns_ref, w_ref, b_ref, out_ref):
        t = aggp_ref[0] + aggp_ref[1]
        z = jnp.dot(t, w_ref[...], preferred_element_type=jnp.float32)
        y = z * nd_ref[...] + b_ref[...]
        if apply_relu:
            y = jnp.maximum(y, 0.0) * ns_ref[...]
        out_ref[...] = y

    return pl.pallas_call(
        body,
        grid=(_NT // _R,),
        in_specs=[pl.BlockSpec((2, _R, _D), lambda i: (0, i, 0)),
                  pl.BlockSpec((_R, 1), lambda i: (i, 0)),
                  pl.BlockSpec((_R, 1), lambda i: (i, 0)),
                  pl.BlockSpec((_D, _D), lambda i: (0, 0)),
                  pl.BlockSpec((1, _D), lambda i: (0, 0))],
        out_specs=pl.BlockSpec((_R, _D), lambda i: (i, 0)),
        out_shape=jax.ShapeDtypeStruct((_NT, _D), jnp.float32),
    )(aggp, nd, ns, W, b)


def kernel(feat, edge_index, W1, b1, W2, b2, W3, b3):
    ei = edge_index.astype(jnp.int32)
    loops = jnp.arange(_N, dtype=jnp.int32)
    src = jnp.concatenate([ei[0], loops])
    dst = jnp.concatenate([ei[1], loops])
    npad = _EPAD - src.shape[0]
    padv = jnp.full((npad,), _DUMMY, jnp.int32)
    src = jnp.concatenate([src, padv])
    dst = jnp.concatenate([dst, padv])
    feat_pad = jnp.pad(feat.astype(jnp.float32), ((0, _NT - _N), (0, 0)))

    dsrc, ddst = _sc_degree(src, dst)
    degT = jnp.stack([dsrc[:_NT], ddst[:_NT], dsrc[_NT:], ddst[_NT:]],
                     axis=1)
    hs, ns, nd = _tc_prep(degT, feat_pad)

    for W, b, last in ((W1, b1, False), (W2, b2, False), (W3, b3, True)):
        aggp = _sc_aggregate(hs, src, dst)
        hs = _tc_layer(aggp, nd, ns, W.astype(jnp.float32),
                       b.astype(jnp.float32).reshape(1, _D), not last)
    return hs[:_N]

# --- scband reference (transcript-rebuilt; emitter-appended) ---
"""Pipeline reference for scband-gcnencoder-22110491639904 (READ-ONLY COPY).

The authoritative reference and input builder live on the scoring server;
editing this copy changes nothing except your own understanding.
"""

import jax, jax.numpy as jnp
import numpy as np

N = 10000
E = 320000
DIM_IN = 128
DIM_H = 128
DIM_OUT = 128


def _xavier(key, fan_in, fan_out):
    s = float(np.sqrt(6.0 / (fan_in + fan_out)))
    return jax.random.uniform(key, (fan_in, fan_out), dtype=jnp.float32, minval=-s, maxval=s)


def setup_inputs(seed: int = 0) -> dict:
    key = jax.random.key(seed)
    ks = jax.random.split(key, 8)
    feat = jax.random.normal(ks[0], (N, DIM_IN), dtype=jnp.float32)
    edge_index = jax.random.randint(ks[1], (2, E), 0, N)
    W1 = _xavier(ks[2], DIM_IN, DIM_H)
    b1 = jnp.zeros((DIM_H,), dtype=jnp.float32)
    W2 = _xavier(ks[3], DIM_H, DIM_H)
    b2 = jnp.zeros((DIM_H,), dtype=jnp.float32)
    W3 = _xavier(ks[4], DIM_H, DIM_OUT)
    b3 = jnp.zeros((DIM_OUT,), dtype=jnp.float32)
    return {"feat": feat, "edge_index": edge_index, "W1": W1, "b1": b1, "W2": W2, "b2": b2, "W3": W3, "b3": b3}


def _gcn_conv(feat, src, dst, norm_src, norm_dst, W, b):
    # DGL GraphConv, norm='both': D_dst^{-1/2} A D_src^{-1/2} X W + b
    h = feat * norm_src[:, None]
    msg = jnp.take(h, src, axis=0)
    agg = jnp.zeros((N, h.shape[1]), dtype=jnp.float32).at[dst].add(msg)
    agg = agg * norm_dst[:, None]
    return agg @ W + b


def reference(feat, edge_index, W1, b1, W2, b2, W3, b3):
    # g = dgl.add_self_loop(g): append (i, i) for every node
    loops = jnp.arange(N, dtype=edge_index.dtype)
    src = jnp.concatenate([edge_index[0], loops])
    dst = jnp.concatenate([edge_index[1], loops])
    deg_out = jnp.zeros((N,), dtype=jnp.float32).at[src].add(1.0)
    deg_in = jnp.zeros((N,), dtype=jnp.float32).at[dst].add(1.0)
    norm_src = jax.lax.rsqrt(jnp.maximum(deg_out, 1.0))
    norm_dst = jax.lax.rsqrt(jnp.maximum(deg_in, 1.0))
    # conv_in -> relu -> (dropout is identity in eval mode)
    h = _gcn_conv(feat, src, dst, norm_src, norm_dst, W1, b1)
    h = jax.nn.relu(h)
    # one hidden conv (num_layers=3 -> num_layers-2 = 1)
    h = _gcn_conv(h, src, dst, norm_src, norm_dst, W2, b2)
    h = jax.nn.relu(h)
    # conv_out
    h = _gcn_conv(h, src, dst, norm_src, norm_dst, W3, b3)
    return h

if __name__ == "__main__":
    import jax
    _d = setup_inputs()
    print(jax.jit(kernel)(*tuple(_d.values())))

</pallas_src>

<mosaic_0001>
#map = affine_map<(d0, d1) -> (0, 0)>
#map1 = affine_map<(d0, d1) -> (0)>
#map2 = affine_map<(d0, d1) -> (0, 0, 0)>
module attributes {stable_mosaic.version = 14 : i64} {
  func.func @k(%arg0: i32, %arg1: i32, %arg2: memref<10240x128xf32, #tpu.memory_space<hbm>>, %arg3: memref<331776xi32, #tpu.memory_space<hbm>>, %arg4: memref<331776xi32, #tpu.memory_space<hbm>>, %arg5: memref<2x10240x128xf32, #tpu.memory_space<hbm>>, %arg6: memref<128xi32, #tpu.memory_space<vmem>>, %arg7: memref<128xi32, #tpu.memory_space<vmem>>, %arg8: memref<128x128xf32, #tpu.memory_space<vmem>>, %arg9: memref<128x128xf32, #tpu.memory_space<vmem>>, %arg10: memref<10240x128xf32, #tpu.memory_space<vmem_shared>>, %arg11: memref<!tpu.dma_semaphore, #tpu.memory_space<semaphore_mem>>) attributes {dimension_semantics = [#tpu.dimension_semantics<core_parallel>, #tpu.dimension_semantics<subcore_parallel>], iteration_bounds = array<i64: 2, 16>, scalar_prefetch = 0 : i64, scratch_operands = 6 : i64, tpu.core_type = #tpu.core_type<sc_vector_subcore>, window_params = [{transform_indices = #map}, {transform_indices = #map1}, {transform_indices = #map1}, {transform_indices = #map2}]} {
    %mul3A = arith.constant 16 : i32
    %mul3A_0 = arith.muli %arg0, %mul3A : i32
    %add3A = arith.addi %mul3A_0, %arg1 : i32
    %scan3A = arith.constant 0 : i32
    %scan3A_1 = arith.constant 0 : i32
    %scan3A_2 = arith.constant 128 : i32
    %scan3A_3 = arith.addi %scan3A_1, %scan3A_2 : i32
    %scan3A_4 = arith.constant 1 : i32
    scf.for %scan3A_37 = %scan3A_1 to %scan3A_3 step %scan3A_4  : i32 {
      %broadcast_in_dim3A = arith.constant 0.000000e+00 : f32
      %broadcast_in_dim3A_38 = vector.broadcast %broadcast_in_dim3A : f32 to vector<16xf32>
      %swap3A = arith.index_cast %scan3A_37 : i32 to index
      %swap3A_39 = arith.constant 0 : index
      %swap3A_40 = tpu.vector_load %arg9[%swap3A, %swap3A_39] {strides = array<i32>} : memref<128x128xf32, #tpu.memory_space<vmem>>, vector<1x16xf32>,
      %swap3A_41 = vector.shape_cast %swap3A_40 : vector<1x16xf32> to vector<16xf32>
      %swap3A_42 = vector.shape_cast %broadcast_in_dim3A_38 : vector<16xf32> to vector<1x16xf32>
      tpu.vector_store %arg9[%swap3A, %swap3A_39], %swap3A_42 {strides = array<i32>} : memref<128x128xf32, #tpu.memory_space<vmem>>, vector<1x16xf32>,
      %broadcast_in_dim3A_43 = arith.constant 0.000000e+00 : f32
      %broadcast_in_dim3A_44 = vector.broadcast %broadcast_in_dim3A_43 : f32 to vector<16xf32>
      %swap3A_45 = arith.index_cast %scan3A_37 : i32 to index
      %swap3A_46 = arith.constant 16 : index
      %swap3A_47 = tpu.vector_load %arg9[%swap3A_45, %swap3A_46] {strides = array<i32>} : memref<128x128xf32, #tpu.memory_space<vmem>>, vector<1x16xf32>,
      %swap3A_48 = vector.shape_cast %swap3A_47 : vector<1x16xf32> to vector<16xf32>
      %swap3A_49 = vector.shape_cast %broadcast_in_dim3A_44 : vector<16xf32> to vector<1x16xf32>
      tpu.vector_store %arg9[%swap3A_45, %swap3A_46], %swap3A_49 {strides = array<i32>} : memref<128x128xf32, #tpu.memory_space<vmem>>, vector<1x16xf32>,
      %broadcast_in_dim3A_50 = arith.constant 0.000000e+00 : f32
      %broadcast_in_dim3A_51 = vector.broadcast %broadcast_in_dim3A_50 : f32 to vector<16xf32>
      %swap3A_52 = arith.index_cast %scan3A_37 : i32 to index
      %swap3A_53 = arith.constant 32 : index
      %swap3A_54 = tpu.vector_load %arg9[%swap3A_52, %swap3A_53] {strides = array<i32>} : memref<128x128xf32, #tpu.memory_space<vmem>>, vector<1x16xf32>,
      %swap3A_55 = vector.shape_cast %swap3A_54 : vector<1x16xf32> to vector<16xf32>
      %swap3A_56 = vector.shape_cast %broadcast_in_dim3A_51 : vector<16xf32> to vector<1x16xf32>
      tpu.vector_store %arg9[%swap3A_52, %swap3A_53], %swap3A_56 {strides = array<i32>} : memref<128x128xf32, #tpu.memory_space<vmem>>, vector<1x16xf32>,
      %broadcast_in_dim3A_57 = arith.constant 0.000000e+00 : f32
      %broadcast_in_dim3A_58 = vector.broadcast %broadcast_in_dim3A_57 : f32 to vector<16xf32>
      %swap3A_59 = arith.index_cast %scan3A_37 : i32 to index
      %swap3A_60 = arith.constant 48 : index
      %swap3A_61 = tpu.vector_load %arg9[%swap3A_59, %swap3A_60] {strides = array<i32>} : memref<128x128xf32, #tpu.memory_space<vmem>>, vector<1x16xf32>,
      %swap3A_62 = vector.shape_cast %swap3A_61 : vector<1x16xf32> to vector<16xf32>
      %swap3A_63 = vector.shape_cast %broadcast_in_dim3A_58 : vector<16xf32> to vector<1x16xf32>
      tpu.vector_store %arg9[%swap3A_59, %swap3A_60], %swap3A_63 {strides = array<i32>} : memref<128x128xf32, #tpu.memory_space<vmem>>, vector<1x16xf32>,
      %broadcast_in_dim3A_64 = arith.constant 0.000000e+00 : f32
      %broadcast_in_dim3A_65 = vector.broadcast %broadcast_in_dim3A_64 : f32 to vector<16xf32>
      %swap3A_66 = arith.index_cast %scan3A_37 : i32 to index
      %swap3A_67 = arith.constant 64 : index
      %swap3A_68 = tpu.vector_load %arg9[%swap3A_66, %swap3A_67] {strides = array<i32>} : memref<128x128xf32, #tpu.memory_space<vmem>>, vector<1x16xf32>,
      %swap3A_69 = vector.shape_cast %swap3A_68 : vector<1x16xf32> to vector<16xf32>
      %swap3A_70 = vector.shape_cast %broadcast_in_dim3A_65 : vector<16xf32> to vector<1x16xf32>
      tpu.vector_store %arg9[%swap3A_66, %swap3A_67], %swap3A_70 {strides = array<i32>} : memref<128x128xf32, #tpu.memory_space<vmem>>, vector<1x16xf32>,
      %broadcast_in_dim3A_71 = arith.constant 0.000000e+00 : f32
      %broadcast_in_dim3A_72 = vector.broadcast %broadcast_in_dim3A_71 : f32 to vector<16xf32>
      %swap3A_73 = arith.index_cast %scan3A_37 : i32 to index
      %swap3A_74 = arith.constant 80 : index
      %swap3A_75 = tpu.vector_load %arg9[%swap3A_73, %swap3A_74] {strides = array<i32>} : memref<128x128xf32, #tpu.memory_space<vmem>>, vector<1x16xf32>,
      %swap3A_76 = vector.shape_cast %swap3A_75 : vector<1x16xf32> to vector<16xf32>
      %swap3A_77 = vector.shape_cast %broadcast_in_dim3A_72 : vector<16xf32> to vector<1x16xf32>
      tpu.vector_store %arg9[%swap3A_73, %swap3A_74], %swap3A_77 {strides = array<i32>} : memref<128x128xf32, #tpu.memory_space<vmem>>, vector<1x16xf32>,
      %broadcast_in_dim3A_78 = arith.constant 0.000000e+00 : f32
      %broadcast_in_dim3A_79 = vector.broadcast %broadcast_in_dim3A_78 : f32 to vector<16xf32>
      %swap3A_80 = arith.index_cast %scan3A_37 : i32 to index
      %swap3A_81 = arith.constant 96 : index
      %swap3A_82 = tpu.vector_load %arg9[%swap3A_80, %swap3A_81] {strides = array<i32>} : memref<128x128xf32, #tpu.memory_space<vmem>>, vector<1x16xf32>,
      %swap3A_83 = vector.shape_cast %swap3A_82 : vector<1x16xf32> to vector<16xf32>
      %swap3A_84 = vector.shape_cast %broadcast_in_dim3A_79 : vector<16xf32> to vector<1x16xf32>
      tpu.vector_store %arg9[%swap3A_80, %swap3A_81], %swap3A_84 {strides = array<i32>} : memref<128x128xf32, #tpu.memory_space<vmem>>, vector<1x16xf32>,
      %broadcast_in_dim3A_85 = arith.constant 0.000000e+00 : f32
      %broadcast_in_dim3A_86 = vector.broadcast %broadcast_in_dim3A_85 : f32 to vector<16xf32>
      %swap3A_87 = arith.index_cast %scan3A_37 : i32 to index
      %swap3A_88 = arith.constant 112 : index
      %swap3A_89 = tpu.vector_load %arg9[%swap3A_87, %swap3A_88] {strides = array<i32>} : memref<128x128xf32, #tpu.memory_space<vmem>>, vector<1x16xf32>,
      %swap3A_90 = vector.shape_cast %swap3A_89 : vector<1x16xf32> to vector<16xf32>
      %swap3A_91 = vector.shape_cast %broadcast_in_dim3A_86 : vector<16xf32> to vector<1x16xf32>
      tpu.vector_store %arg9[%swap3A_87, %swap3A_88], %swap3A_91 {strides = array<i32>} : memref<128x128xf32, #tpu.memory_space<vmem>>, vector<1x16xf32>,
    }
    %scan3A_5 = arith.constant 128 : i32
    %mul3A_6 = arith.constant 640 : i32
    %mul3A_7 = arith.muli %arg1, %mul3A_6 : i32
    %add3A_8 = arith.constant 0 : i32
    %add3A_9 = arith.addi %mul3A_7, %add3A_8 : i32
    "tpu.region"() ({
      %run_scoped3A = tpu.sem_alloc : memref<!tpu.dma_semaphore, #tpu.memory_space<semaphore_mem>>
      %dma_start3A = arith.constant 0 : i32
      %dma_start3A_37 = tpu.memref_slice %arg10[%add3A_9, %dma_start3A] : memref<10240x128xf32, #tpu.memory_space<vmem_shared>> -> memref<128x128xf32, #tpu.memory_space<vmem_shared>>
      %dma_start3A_38 = arith.constant 0 : i32
      %dma_start3A_39 = tpu.memref_slice %arg10[%add3A_9, %dma_start3A_38] : memref<10240x128xf32, #tpu.memory_space<vmem_shared>> -> memref<128x128xf32, #tpu.memory_space<vmem_shared>>
      tpu.enqueue_dma source(%arg9 : memref<128x128xf32, #tpu.memory_space<vmem>>) target(%dma_start3A_39 : memref<128x128xf32, #tpu.memory_space<vmem_shared>>) target_semaphore(%run_scoped3A : memref<!tpu.dma_semaphore, #tpu.memory_space<semaphore_mem>>)
      %dma_wait3A = arith.constant 0 : i32
      %dma_wait3A_40 = tpu.memref_slice %arg10[%add3A_9, %dma_wait3A] : memref<10240x128xf32, #tpu.memory_space<vmem_shared>> -> memref<128x128xf32, #tpu.memory_space<vmem_shared>>
      %dma_wait3A_41 = arith.constant 0 : i32
      %dma_wait3A_42 = tpu.memref_slice %arg10[%add3A_9, %dma_wait3A_41] : memref<10240x128xf32, #tpu.memory_space<vmem_shared>> -> memref<128x128xf32, #tpu.memory_space<vmem_shared>>
      tpu.wait_dma2 semaphore(%run_scoped3A : memref<!tpu.dma_semaphore, #tpu.memory_space<semaphore_mem>>) src(%arg9 : memref<128x128xf32, #tpu.memory_space<vmem>>) dst(%dma_wait3A_42 : memref<128x128xf32, #tpu.memory_space<vmem_shared>>)
      tpu.yield
    }) : () -> ()
    %mul3A_10 = arith.constant 640 : i32
    %mul3A_11 = arith.muli %arg1, %mul3A_10 : i32
    %add3A_12 = arith.constant 128 : i32
    %add3A_13 = arith.addi %mul3A_11, %add3A_12 : i32
    "tpu.region"() ({
      %run_scoped3A = tpu.sem_alloc : memref<!tpu.dma_semaphore, #tpu.memory_space<semaphore_mem>>
      %dma_start3A = arith.constant 0 : i32
      %dma_start3A_37 = tpu.memref_slice %arg10[%add3A_13, %dma_start3A] : memref<10240x128xf32, #tpu.memory_space<vmem_shared>> -> memref<128x128xf32, #tpu.memory_space<vmem_shared>>
      %dma_start3A_38 = arith.constant 0 : i32
      %dma_start3A_39 = tpu.memref_slice %arg10[%add3A_13, %dma_start3A_38] : memref<10240x128xf32, #tpu.memory_space<vmem_shared>> -> memref<128x128xf32, #tpu.memory_space<vmem_shared>>
      tpu.enqueue_dma source(%arg9 : memref<128x128xf32, #tpu.memory_space<vmem>>) target(%dma_start3A_39 : memref<128x128xf32, #tpu.memory_space<vmem_shared>>) target_semaphore(%run_scoped3A : memref<!tpu.dma_semaphore, #tpu.memory_space<semaphore_mem>>)
      %dma_wait3A = arith.constant 0 : i32
      %dma_wait3A_40 = tpu.memref_slice %arg10[%add3A_13, %dma_wait3A] : memref<10240x128xf32, #tpu.memory_space<vmem_shared>> -> memref<128x128xf32, #tpu.memory_space<vmem_shared>>
      %dma_wait3A_41 = arith.constant 0 : i32
      %dma_wait3A_42 = tpu.memref_slice %arg10[%add3A_13, %dma_wait3A_41] : memref<10240x128xf32, #tpu.memory_space<vmem_shared>> -> memref<128x128xf32, #tpu.memory_space<vmem_shared>>
      tpu.wait_dma2 semaphore(%run_scoped3A : memref<!tpu.dma_semaphore, #tpu.memory_space<semaphore_mem>>) src(%arg9 : memref<128x128xf32, #tpu.memory_space<vmem>>) dst(%dma_wait3A_42 : memref<128x128xf32, #tpu.memory_space<vmem_shared>>)
      tpu.yield
    }) : () -> ()
    %mul3A_14 = arith.constant 640 : i32
    %mul3A_15 = arith.muli %arg1, %mul3A_14 : i32
    %add3A_16 = arith.constant 256 : i32
    %add3A_17 = arith.addi %mul3A_15, %add3A_16 : i32
    "tpu.region"() ({
      %run_scoped3A = tpu.sem_alloc : memref<!tpu.dma_semaphore, #tpu.memory_space<semaphore_mem>>
      %dma_start3A = arith.constant 0 : i32
      %dma_start3A_37 = tpu.memref_slice %arg10[%add3A_17, %dma_start3A] : memref<10240x128xf32, #tpu.memory_space<vmem_shared>> -> memref<128x128xf32, #tpu.memory_space<vmem_shared>>
      %dma_start3A_38 = arith.constant 0 : i32
      %dma_start3A_39 = tpu.memref_slice %arg10[%add3A_17, %dma_start3A_38] : memref<10240x128xf32, #tpu.memory_space<vmem_shared>> -> memref<128x128xf32, #tpu.memory_space<vmem_shared>>
      tpu.enqueue_dma source(%arg9 : memref<128x128xf32, #tpu.memory_space<vmem>>) target(%dma_start3A_39 : memref<128x128xf32, #tpu.memory_space<vmem_shared>>) target_semaphore(%run_scoped3A : memref<!tpu.dma_semaphore, #tpu.memory_space<semaphore_mem>>)
      %dma_wait3A = arith.constant 0 : i32
      %dma_wait3A_40 = tpu.memref_slice %arg10[%add3A_17, %dma_wait3A] : memref<10240x128xf32, #tpu.memory_space<vmem_shared>> -> memref<128x128xf32, #tpu.memory_space<vmem_shared>>
      %dma_wait3A_41 = arith.constant 0 : i32
      %dma_wait3A_42 = tpu.memref_slice %arg10[%add3A_17, %dma_wait3A_41] : memref<10240x128xf32, #tpu.memory_space<vmem_shared>> -> memref<128x128xf32, #tpu.memory_space<vmem_shared>>
      tpu.wait_dma2 semaphore(%run_scoped3A : memref<!tpu.dma_semaphore, #tpu.memory_space<semaphore_mem>>) src(%arg9 : memref<128x128xf32, #tpu.memory_space<vmem>>) dst(%dma_wait3A_42 : memref<128x128xf32, #tpu.memory_space<vmem_shared>>)
      tpu.yield
    }) : () -> ()
    %mul3A_18 = arith.constant 640 : i32
    %mul3A_19 = arith.muli %arg1, %mul3A_18 : i32
    %add3A_20 = arith.constant 384 : i32
    %add3A_21 = arith.addi %mul3A_19, %add3A_20 : i32
    "tpu.region"() ({
      %run_scoped3A = tpu.sem_alloc : memref<!tpu.dma_semaphore, #tpu.memory_space<semaphore_mem>>
      %dma_start3A = arith.constant 0 : i32
      %dma_start3A_37 = tpu.memref_slice %arg10[%add3A_21, %dma_start3A] : memref<10240x128xf32, #tpu.memory_space<vmem_shared>> -> memref<128x128xf32, #tpu.memory_space<vmem_shared>>
      %dma_start3A_38 = arith.constant 0 : i32
      %dma_start3A_39 = tpu.memref_slice %arg10[%add3A_21, %dma_start3A_38] : memref<10240x128xf32, #tpu.memory_space<vmem_shared>> -> memref<128x128xf32, #tpu.memory_space<vmem_shared>>
      tpu.enqueue_dma source(%arg9 : memref<128x128xf32, #tpu.memory_space<vmem>>) target(%dma_start3A_39 : memref<128x128xf32, #tpu.memory_space<vmem_shared>>) target_semaphore(%run_scoped3A : memref<!tpu.dma_semaphore, #tpu.memory_space<semaphore_mem>>)
      %dma_wait3A = arith.constant 0 : i32
      %dma_wait3A_40 = tpu.memref_slice %arg10[%add3A_21, %dma_wait3A] : memref<10240x128xf32, #tpu.memory_space<vmem_shared>> -> memref<128x128xf32, #tpu.memory_space<vmem_shared>>
      %dma_wait3A_41 = arith.constant 0 : i32
      %dma_wait3A_42 = tpu.memref_slice %arg10[%add3A_21, %dma_wait3A_41] : memref<10240x128xf32, #tpu.memory_space<vmem_shared>> -> memref<128x128xf32, #tpu.memory_space<vmem_shared>>
      tpu.wait_dma2 semaphore(%run_scoped3A : memref<!tpu.dma_semaphore, #tpu.memory_space<semaphore_mem>>) src(%arg9 : memref<128x128xf32, #tpu.memory_space<vmem>>) dst(%dma_wait3A_42 : memref<128x128xf32, #tpu.memory_space<vmem_shared>>)
      tpu.yield
    }) : () -> ()
    %mul3A_22 = arith.constant 640 : i32
    %mul3A_23 = arith.muli %arg1, %mul3A_22 : i32
    %add3A_24 = arith.constant 512 : i32
    %add3A_25 = arith.addi %mul3A_23, %add3A_24 : i32
    "tpu.region"() ({
      %run_scoped3A = tpu.sem_alloc : memref<!tpu.dma_semaphore, #tpu.memory_space<semaphore_mem>>
      %dma_start3A = arith.constant 0 : i32
      %dma_start3A_37 = tpu.memref_slice %arg10[%add3A_25, %dma_start3A] : memref<10240x128xf32, #tpu.memory_space<vmem_shared>> -> memref<128x128xf32, #tpu.memory_space<vmem_shared>>
      %dma_start3A_38 = arith.constant 0 : i32
      %dma_start3A_39 = tpu.memref_slice %arg10[%add3A_25, %dma_start3A_38] : memref<10240x128xf32, #tpu.memory_space<vmem_shared>> -> memref<128x128xf32, #tpu.memory_space<vmem_shared>>
      tpu.enqueue_dma source(%arg9 : memref<128x128xf32, #tpu.memory_space<vmem>>) target(%dma_start3A_39 : memref<128x128xf32, #tpu.memory_space<vmem_shared>>) target_semaphore(%run_scoped3A : memref<!tpu.dma_semaphore, #tpu.memory_space<semaphore_mem>>)
      %dma_wait3A = arith.constant 0 : i32
      %dma_wait3A_40 = tpu.memref_slice %arg10[%add3A_25, %dma_wait3A] : memref<10240x128xf32, #tpu.memory_space<vmem_shared>> -> memref<128x128xf32, #tpu.memory_space<vmem_shared>>
      %dma_wait3A_41 = arith.constant 0 : i32
      %dma_wait3A_42 = tpu.memref_slice %arg10[%add3A_25, %dma_wait3A_41] : memref<10240x128xf32, #tpu.memory_space<vmem_shared>> -> memref<128x128xf32, #tpu.memory_space<vmem_shared>>
      tpu.wait_dma2 semaphore(%run_scoped3A : memref<!tpu.dma_semaphore, #tpu.memory_space<semaphore_mem>>) src(%arg9 : memref<128x128xf32, #tpu.memory_space<vmem>>) dst(%dma_wait3A_42 : memref<128x128xf32, #tpu.memory_space<vmem_shared>>)
      tpu.yield
    }) : () -> ()
    %barrier3A = arith.constant 0 : index
    tpu.barrier barrier_id(%barrier3A)
    %scan3A_26 = arith.constant 0 : i32
    %scan3A_27 = arith.constant 0 : i32
    %scan3A_28 = arith.constant 81 : i32
    %scan3A_29 = arith.addi %scan3A_27, %scan3A_28 : i32
    %scan3A_30 = arith.constant 1 : i32
    scf.for %scan3A_37 = %scan3A_27 to %scan3A_29 step %scan3A_30  : i32 {
      %mul3A_38 = arith.constant 10368 : i32
      %mul3A_39 = arith.muli %add3A, %mul3A_38 : i32
      %mul3A_40 = arith.constant 128 : i32
      %mul3A_41 = arith.muli %scan3A_37, %mul3A_40 : i32
      %add3A_42 = arith.addi %mul3A_39, %mul3A_41 : i32
      "tpu.region"() ({
        %run_scoped3A = tpu.sem_alloc : memref<!tpu.dma_semaphore, #tpu.memory_space<semaphore_mem>>
        %dma_start3A_47 = tpu.memref_slice %arg3[%add3A_42] : memref<331776xi32, #tpu.memory_space<hbm>> -> memref<128xi32, #tpu.memory_space<hbm>>
        %dma_start3A_48 = tpu.memref_slice %arg3[%add3A_42] : memref<331776xi32, #tpu.memory_space<hbm>> -> memref<128xi32, #tpu.memory_space<hbm>>
        tpu.enqueue_dma source(%dma_start3A_48 : memref<128xi32, #tpu.memory_space<hbm>>) target(%arg6 : memref<128xi32, #tpu.memory_space<vmem>>) target_semaphore(%run_scoped3A : memref<!tpu.dma_semaphore, #tpu.memory_space<semaphore_mem>>)
        %dma_wait3A_49 = tpu.memref_slice %arg3[%add3A_42] : memref<331776xi32, #tpu.memory_space<hbm>> -> memref<128xi32, #tpu.memory_space<hbm>>
        %dma_wait3A_50 = tpu.memref_slice %arg3[%add3A_42] : memref<331776xi32, #tpu.memory_space<hbm>> -> memref<128xi32, #tpu.memory_space<hbm>>
        tpu.wait_dma2 semaphore(%run_scoped3A : memref<!tpu.dma_semaphore, #tpu.memory_space<semaphore_mem>>) src(%dma_wait3A_50 : memref<128xi32, #tpu.memory_space<hbm>>) dst(%arg6 : memref<128xi32, #tpu.memory_space<vmem>>)
        tpu.yield
      }) : () -> ()
      "tpu.region"() ({
        %run_scoped3A = tpu.sem_alloc : memref<!tpu.dma_semaphore, #tpu.memory_space<semaphore_mem>>
        %dma_start3A_47 = tpu.memref_slice %arg4[%add3A_42] : memref<331776xi32, #tpu.memory_space<hbm>> -> memref<128xi32, #tpu.memory_space<hbm>>
        %dma_start3A_48 = tpu.memref_slice %arg4[%add3A_42] : memref<331776xi32, #tpu.memory_space<hbm>> -> memref<128xi32, #tpu.memory_space<hbm>>
        tpu.enqueue_dma source(%dma_start3A_48 : memref<128xi32, #tpu.memory_space<hbm>>) target(%arg7 : memref<128xi32, #tpu.memory_space<vmem>>) target_semaphore(%run_scoped3A : memref<!tpu.dma_semaphore, #tpu.memory_space<semaphore_mem>>)
        %dma_wait3A_49 = tpu.memref_slice %arg4[%add3A_42] : memref<331776xi32, #tpu.memory_space<hbm>> -> memref<128xi32, #tpu.memory_space<hbm>>
        %dma_wait3A_50 = tpu.memref_slice %arg4[%add3A_42] : memref<331776xi32, #tpu.memory_space<hbm>> -> memref<128xi32, #tpu.memory_space<hbm>>
        tpu.wait_dma2 semaphore(%run_scoped3A : memref<!tpu.dma_semaphore, #tpu.memory_space<semaphore_mem>>) src(%dma_wait3A_50 : memref<128xi32, #tpu.memory_space<hbm>>) dst(%arg7 : memref<128xi32, #tpu.memory_space<vmem>>)
        tpu.yield
      }) : () -> ()
      %dma_start3A = arith.constant 0 : i32
      %dma_start3A_43 = arith.constant 0 : i32
      %dma_start3A_44 = tpu.memref_slice %arg2[%dma_start3A, %dma_start3A_43] : memref<10240x128xf32, #tpu.memory_space<hbm>> -> memref<10240x128xf32, #tpu.memory_space<hbm>>
      tpu.enqueue_indirect_dma source(%dma_start3A_44 : memref<10240x128xf32, #tpu.memory_space<hbm>>) target(%arg8 : memref<128x128xf32, #tpu.memory_space<vmem>>) offsets(%arg6 : memref<128xi32, #tpu.memory_space<vmem>>) semaphore(%arg11 : memref<!tpu.dma_semaphore, #tpu.memory_space<semaphore_mem>>)
      %dma_wait3A = arith.constant 0 : i32
      %dma_wait3A_45 = arith.constant 0 : i32
      %dma_wait3A_46 = tpu.memref_slice %arg2[%dma_wait3A, %dma_wait3A_45] : memref<10240x128xf32, #tpu.memory_space<hbm>> -> memref<10240x128xf32, #tpu.memory_space<hbm>>
      tpu.wait_indirect_dma semaphore(%arg11 : memref<!tpu.dma_semaphore, #tpu.memory_space<semaphore_mem>>) src(%dma_wait3A_46 : memref<10240x128xf32, #tpu.memory_space<hbm>>) dst(%arg8 : memref<128x128xf32, #tpu.memory_space<vmem>>)
      "tpu.region"() ({
        %run_scoped3A = tpu.sem_alloc : memref<!tpu.dma_semaphore, #tpu.memory_space<semaphore_mem>>
        %dma_start3A_47 = arith.constant 0 : i32
        %dma_start3A_48 = arith.constant 0 : i32
        %dma_start3A_49 = tpu.memref_slice %arg10[%dma_start3A_47, %dma_start3A_48] : memref<10240x128xf32, #tpu.memory_space<vmem_shared>> -> memref<10240x128xf32, #tpu.memory_space<vmem_shared>>
        tpu.enqueue_indirect_dma source(%arg8 : memref<128x128xf32, #tpu.memory_space<vmem>>) target(%dma_start3A_49 : memref<10240x128xf32, #tpu.memory_space<vmem_shared>>) offsets(%arg7 : memref<128xi32, #tpu.memory_space<vmem>>) semaphore(%run_scoped3A : memref<!tpu.dma_semaphore, #tpu.memory_space<semaphore_mem>>) {add = true}
        %dma_wait3A_50 = arith.constant 0 : i32
        %dma_wait3A_51 = arith.constant 0 : i32
        %dma_wait3A_52 = tpu.memref_slice %arg10[%dma_wait3A_50, %dma_wait3A_51] : memref<10240x128xf32, #tpu.memory_space<vmem_shared>> -> memref<10240x128xf32, #tpu.memory_space<vmem_shared>>
        tpu.wait_indirect_dma semaphore(%run_scoped3A : memref<!tpu.dma_semaphore, #tpu.memory_space<semaphore_mem>>) src(%arg8 : memref<128x128xf32, #tpu.memory_space<vmem>>) dst(%dma_wait3A_52 : memref<10240x128xf32, #tpu.memory_space<vmem_shared>>)
        tpu.yield
      }) : () -> ()
    }
    %scan3A_31 = arith.constant 81 : i32
    %barrier3A_32 = arith.constant 0 : index
    tpu.barrier barrier_id(%barrier3A_32)
    %mul3A_33 = arith.constant 640 : i32
    %mul3A_34 = arith.muli %arg1, %mul3A_33 : i32
    %mul3A_35 = arith.constant 640 : i32
    %mul3A_36 = arith.muli %arg1, %mul3A_35 : i32
    "tpu.region"() ({
      %run_scoped3A = tpu.sem_alloc : memref<!tpu.dma_semaphore, #tpu.memory_space<semaphore_mem>>
      %dma_start3A = arith.constant 0 : i32
      %dma_start3A_37 = tpu.memref_slice %arg5[%arg0, %mul3A_36, %dma_start3A] : memref<2x10240x128xf32, #tpu.memory_space<hbm>> -> memref<1x640x128xf32, #tpu.memory_space<hbm>>
      %dma_start3A_38 = tpu.memref_squeeze %dma_start3A_37 : memref<1x640x128xf32, #tpu.memory_space<hbm>> -> memref<640x128xf32, #tpu.memory_space<hbm>>
      %dma_start3A_39 = arith.constant 0 : i32
      %dma_start3A_40 = tpu.memref_slice %arg10[%mul3A_34, %dma_start3A_39] : memref<10240x128xf32, #tpu.memory_space<vmem_shared>> -> memref<640x128xf32, #tpu.memory_space<vmem_shared>>
      tpu.enqueue_dma source(%dma_start3A_40 : memref<640x128xf32, #tpu.memory_space<vmem_shared>>) target(%dma_start3A_38 : memref<640x128xf32, #tpu.memory_space<hbm>>) target_semaphore(%run_scoped3A : memref<!tpu.dma_semaphore, #tpu.memory_space<semaphore_mem>>)
      %dma_wait3A = arith.constant 0 : i32
      %dma_wait3A_41 = tpu.memref_slice %arg5[%arg0, %mul3A_36, %dma_wait3A] : memref<2x10240x128xf32, #tpu.memory_space<hbm>> -> memref<1x640x128xf32, #tpu.memory_space<hbm>>
      %dma_wait3A_42 = tpu.memref_squeeze %dma_wait3A_41 : memref<1x640x128xf32, #tpu.memory_space<hbm>> -> memref<640x128xf32, #tpu.memory_space<hbm>>
      %dma_wait3A_43 = arith.constant 0 : i32
      %dma_wait3A_44 = tpu.memref_slice %arg10[%mul3A_34, %dma_wait3A_43] : memref<10240x128xf32, #tpu.memory_space<vmem_shared>> -> memref<640x128xf32, #tpu.memory_space<vmem_shared>>
      tpu.wait_dma2 semaphore(%run_scoped3A : memref<!tpu.dma_semaphore, #tpu.memory_space<semaphore_mem>>) src(%dma_wait3A_44 : memref<640x128xf32, #tpu.memory_space<vmem_shared>>) dst(%dma_wait3A_42 : memref<640x128xf32, #tpu.memory_space<hbm>>)
      tpu.yield
    }) : () -> ()
    return
  }
}

#map = affine_map<(d0, d1) -> (0)>
module attributes {stable_mosaic.version = 14 : i64} {
  func.func @k(%arg0: i32, %arg1: i32, %arg2: memref<331776xi32, #tpu.memory_space<hbm>>, %arg3: memref<331776xi32, #tpu.memory_space<hbm>>, %arg4: memref<20480xf32, #tpu.memory_space<hbm>>, %arg5: memref<20480xf32, #tpu.memory_space<hbm>>, %arg6: memref<128xi32, #tpu.memory_space<vmem>>, %arg7: memref<128xi32, #tpu.memory_space<vmem>>, %arg8: memref<128xf32, #tpu.memory_space<vmem>>, %arg9: memref<640xf32, #tpu.memory_space<vmem>>, %arg10: memref<10240xf32, #tpu.memory_space<vmem_shared>>, %arg11: memref<10240xf32, #tpu.memory_space<vmem_shared>>) attributes {dimension_semantics = [#tpu.dimension_semantics<core_parallel>, #tpu.dimension_semantics<subcore_parallel>], iteration_bounds = array<i64: 2, 16>, scalar_prefetch = 0 : i64, scratch_operands = 6 : i64, tpu.core_type = #tpu.core_type<sc_vector_subcore>, window_params = [{transform_indices = #map}, {transform_indices = #map}, {transform_indices = #map}, {transform_indices = #map}]} {
    %mul3A = arith.constant 16 : i32
    %mul3A_0 = arith.muli %arg0, %mul3A : i32
    %add3A = arith.addi %mul3A_0, %arg1 : i32
    %scan3A = arith.constant 0 : i32
    %scan3A_1 = arith.constant 0 : i32
    %scan3A_2 = arith.constant 8 : i32
    %scan3A_3 = arith.addi %scan3A_1, %scan3A_2 : i32
    %scan3A_4 = arith.constant 1 : i32
    scf.for %scan3A_37 = %scan3A_1 to %scan3A_3 step %scan3A_4  : i32 {
      %broadcast_in_dim3A = arith.constant 1.000000e+00 : f32
      %broadcast_in_dim3A_38 = vector.broadcast %broadcast_in_dim3A : f32 to vector<16xf32>
      %mul3A_39 = arith.constant 16 : i32
      %mul3A_40 = arith.muli %scan3A_37, %mul3A_39 : i32
      %swap3A = arith.index_cast %mul3A_40 : i32 to index
      %swap3A_41 = tpu.vector_load %arg8[%swap3A] {strides = array<i32>} : memref<128xf32, #tpu.memory_space<vmem>>, vector<16xf32>,
      %swap3A_42 = vector.shape_cast %swap3A_41 : vector<16xf32> to vector<16xf32>
      %swap3A_43 = vector.shape_cast %broadcast_in_dim3A_38 : vector<16xf32> to vector<16xf32>
      tpu.vector_store %arg8[%swap3A], %swap3A_43 {strides = array<i32>} : memref<128xf32, #tpu.memory_space<vmem>>, vector<16xf32>,
    }
    %scan3A_5 = arith.constant 8 : i32
    %scan3A_6 = arith.constant 0 : i32
    %scan3A_7 = arith.constant 0 : i32
    %scan3A_8 = arith.constant 40 : i32
    %scan3A_9 = arith.addi %scan3A_7, %scan3A_8 : i32
    %scan3A_10 = arith.constant 1 : i32
    scf.for %scan3A_37 = %scan3A_7 to %scan3A_9 step %scan3A_10  : i32 {
      %broadcast_in_dim3A = arith.constant 0.000000e+00 : f32
      %broadcast_in_dim3A_38 = vector.broadcast %broadcast_in_dim3A : f32 to vector<16xf32>
      %mul3A_39 = arith.constant 16 : i32
      %mul3A_40 = arith.muli %scan3A_37, %mul3A_39 : i32
      %swap3A = arith.index_cast %mul3A_40 : i32 to index
      %swap3A_41 = tpu.vector_load %arg9[%swap3A] {strides = array<i32>} : memref<640xf32, #tpu.memory_space<vmem>>, vector<16xf32>,
      %swap3A_42 = vector.shape_cast %swap3A_41 : vector<16xf32> to vector<16xf32>
      %swap3A_43 = vector.shape_cast %broadcast_in_dim3A_38 : vector<16xf32> to vector<16xf32>
      tpu.vector_store %arg9[%swap3A], %swap3A_43 {strides = array<i32>} : memref<640xf32, #tpu.memory_space<vmem>>, vector<16xf32>,
    }
    %scan3A_11 = arith.constant 40 : i32
    %mul3A_12 = arith.constant 640 : i32
    %mul3A_13 = arith.muli %arg1, %mul3A_12 : i32
    "tpu.region"() ({
      %run_scoped3A = tpu.sem_alloc : memref<!tpu.dma_semaphore, #tpu.memory_space<semaphore_mem>>
      %dma_start3A = tpu.memref_slice %arg10[%mul3A_13] : memref<10240xf32, #tpu.memory_space<vmem_shared>> -> memref<640xf32, #tpu.memory_space<vmem_shared>>
      %dma_start3A_37 = tpu.memref_slice %arg10[%mul3A_13] : memref<10240xf32, #tpu.memory_space<vmem_shared>> -> memref<640xf32, #tpu.memory_space<vmem_shared>>
      tpu.enqueue_dma source(%arg9 : memref<640xf32, #tpu.memory_space<vmem>>) target(%dma_start3A_37 : memref<640xf32, #tpu.memory_space<vmem_shared>>) target_semaphore(%run_scoped3A : memref<!tpu.dma_semaphore, #tpu.memory_space<semaphore_mem>>)
      %dma_wait3A = tpu.memref_slice %arg10[%mul3A_13] : memref<10240xf32, #tpu.memory_space<vmem_shared>> -> memref<640xf32, #tpu.memory_space<vmem_shared>>
      %dma_wait3A_38 = tpu.memref_slice %arg10[%mul3A_13] : memref<10240xf32, #tpu.memory_space<vmem_shared>> -> memref<640xf32, #tpu.memory_space<vmem_shared>>
      tpu.wait_dma2 semaphore(%run_scoped3A : memref<!tpu.dma_semaphore, #tpu.memory_space<semaphore_mem>>) src(%arg9 : memref<640xf32, #tpu.memory_space<vmem>>) dst(%dma_wait3A_38 : memref<640xf32, #tpu.memory_space<vmem_shared>>)
      tpu.yield
    }) : () -> ()
    %mul3A_14 = arith.constant 640 : i32
    %mul3A_15 = arith.muli %arg1, %mul3A_14 : i32
    "tpu.region"() ({
      %run_scoped3A = tpu.sem_alloc : memref<!tpu.dma_semaphore, #tpu.memory_space<semaphore_mem>>
      %dma_start3A = tpu.memref_slice %arg11[%mul3A_15] : memref<10240xf32, #tpu.memory_space<vmem_shared>> -> memref<640xf32, #tpu.memory_space<vmem_shared>>
      %dma_start3A_37 = tpu.memref_slice %arg11[%mul3A_15] : memref<10240xf32, #tpu.memory_space<vmem_shared>> -> memref<640xf32, #tpu.memory_space<vmem_shared>>
      tpu.enqueue_dma source(%arg9 : memref<640xf32, #tpu.memory_space<vmem>>) target(%dma_start3A_37 : memref<640xf32, #tpu.memory_space<vmem_shared>>) target_semaphore(%run_scoped3A : memref<!tpu.dma_semaphore, #tpu.memory_space<semaphore_mem>>)
      %dma_wait3A = tpu.memref_slice %arg11[%mul3A_15] : memref<10240xf32, #tpu.memory_space<vmem_shared>> -> memref<640xf32, #tpu.memory_space<vmem_shared>>
      %dma_wait3A_38 = tpu.memref_slice %arg11[%mul3A_15] : memref<10240xf32, #tpu.memory_space<vmem_shared>> -> memref<640xf32, #tpu.memory_space<vmem_shared>>
      tpu.wait_dma2 semaphore(%run_scoped3A : memref<!tpu.dma_semaphore, #tpu.memory_space<semaphore_mem>>) src(%arg9 : memref<640xf32, #tpu.memory_space<vmem>>) dst(%dma_wait3A_38 : memref<640xf32, #tpu.memory_space<vmem_shared>>)
      tpu.yield
    }) : () -> ()
    %barrier3A = arith.constant 0 : index
    tpu.barrier barrier_id(%barrier3A)
    %scan3A_16 = arith.constant 0 : i32
    %scan3A_17 = arith.constant 0 : i32
    %scan3A_18 = arith.constant 81 : i32
    %scan3A_19 = arith.addi %scan3A_17, %scan3A_18 : i32
    %scan3A_20 = arith.constant 1 : i32
    scf.for %scan3A_37 = %scan3A_17 to %scan3A_19 step %scan3A_20  : i32 {
      %mul3A_38 = arith.constant 10368 : i32
      %mul3A_39 = arith.muli %add3A, %mul3A_38 : i32
      %mul3A_40 = arith.constant 128 : i32
      %mul3A_41 = arith.muli %scan3A_37, %mul3A_40 : i32
      %add3A_42 = arith.addi %mul3A_39, %mul3A_41 : i32
      "tpu.region"() ({
        %run_scoped3A = tpu.sem_alloc : memref<!tpu.dma_semaphore, #tpu.memory_space<semaphore_mem>>
        %dma_start3A = tpu.memref_slice %arg2[%add3A_42] : memref<331776xi32, #tpu.memory_space<hbm>> -> memref<128xi32, #tpu.memory_space<hbm>>
        %dma_start3A_43 = tpu.memref_slice %arg2[%add3A_42] : memref<331776xi32, #tpu.memory_space<hbm>> -> memref<128xi32, #tpu.memory_space<hbm>>
        tpu.enqueue_dma source(%dma_start3A_43 : memref<128xi32, #tpu.memory_space<hbm>>) target(%arg6 : memref<128xi32, #tpu.memory_space<vmem>>) target_semaphore(%run_scoped3A : memref<!tpu.dma_semaphore, #tpu.memory_space<semaphore_mem>>)
        %dma_wait3A = tpu.memref_slice %arg2[%add3A_42] : memref<331776xi32, #tpu.memory_space<hbm>> -> memref<128xi32, #tpu.memory_space<hbm>>
        %dma_wait3A_44 = tpu.memref_slice %arg2[%add3A_42] : memref<331776xi32, #tpu.memory_space<hbm>> -> memref<128xi32, #tpu.memory_space<hbm>>
        tpu.wait_dma2 semaphore(%run_scoped3A : memref<!tpu.dma_semaphore, #tpu.memory_space<semaphore_mem>>) src(%dma_wait3A_44 : memref<128xi32, #tpu.memory_space<hbm>>) dst(%arg6 : memref<128xi32, #tpu.memory_space<vmem>>)
        tpu.yield
      }) : () -> ()
      "tpu.region"() ({
        %run_scoped3A = tpu.sem_alloc : memref<!tpu.dma_semaphore, #tpu.memory_space<semaphore_mem>>
        %dma_start3A = tpu.memref_slice %arg3[%add3A_42] : memref<331776xi32, #tpu.memory_space<hbm>> -> memref<128xi32, #tpu.memory_space<hbm>>
        %dma_start3A_43 = tpu.memref_slice %arg3[%add3A_42] : memref<331776xi32, #tpu.memory_space<hbm>> -> memref<128xi32, #tpu.memory_space<hbm>>
        tpu.enqueue_dma source(%dma_start3A_43 : memref<128xi32, #tpu.memory_space<hbm>>) target(%arg7 : memref<128xi32, #tpu.memory_space<vmem>>) target_semaphore(%run_scoped3A : memref<!tpu.dma_semaphore, #tpu.memory_space<semaphore_mem>>)
        %dma_wait3A = tpu.memref_slice %arg3[%add3A_42] : memref<331776xi32, #tpu.memory_space<hbm>> -> memref<128xi32, #tpu.memory_space<hbm>>
        %dma_wait3A_44 = tpu.memref_slice %arg3[%add3A_42] : memref<331776xi32, #tpu.memory_space<hbm>> -> memref<128xi32, #tpu.memory_space<hbm>>
        tpu.wait_dma2 semaphore(%run_scoped3A : memref<!tpu.dma_semaphore, #tpu.memory_space<semaphore_mem>>) src(%dma_wait3A_44 : memref<128xi32, #tpu.memory_space<hbm>>) dst(%arg7 : memref<128xi32, #tpu.memory_space<vmem>>)
        tpu.yield
      }) : () -> ()
      "tpu.region"() ({
        %run_scoped3A = tpu.sem_alloc : memref<!tpu.dma_semaphore, #tpu.memory_space<semaphore_mem>>
        %dma_start3A = arith.constant 0 : i32
        %dma_start3A_43 = tpu.memref_slice %arg10[%dma_start3A] : memref<10240xf32, #tpu.memory_space<vmem_shared>> -> memref<10240xf32, #tpu.memory_space<vmem_shared>>
        tpu.enqueue_indirect_dma source(%arg8 : memref<128xf32, #tpu.memory_space<vmem>>) target(%dma_start3A_43 : memref<10240xf32, #tpu.memory_space<vmem_shared>>) offsets(%arg6 : memref<128xi32, #tpu.memory_space<vmem>>) semaphore(%run_scoped3A : memref<!tpu.dma_semaphore, #tpu.memory_space<semaphore_mem>>) {add = true}
        %dma_wait3A = arith.constant 0 : i32
        %dma_wait3A_44 = tpu.memref_slice %arg10[%dma_wait3A] : memref<10240xf32, #tpu.memory_space<vmem_shared>> -> memref<10240xf32, #tpu.memory_space<vmem_shared>>
        tpu.wait_indirect_dma semaphore(%run_scoped3A : memref<!tpu.dma_semaphore, #tpu.memory_space<semaphore_mem>>) src(%arg8 : memref<128xf32, #tpu.memory_space<vmem>>) dst(%dma_wait3A_44 : memref<10240xf32, #tpu.memory_space<vmem_shared>>)
        tpu.yield
      }) : () -> ()
      "tpu.region"() ({
        %run_scoped3A = tpu.sem_alloc : memref<!tpu.dma_semaphore, #tpu.memory_space<semaphore_mem>>
        %dma_start3A = arith.constant 0 : i32
        %dma_start3A_43 = tpu.memref_slice %arg11[%dma_start3A] : memref<10240xf32, #tpu.memory_space<vmem_shared>> -> memref<10240xf32, #tpu.memory_space<vmem_shared>>
        tpu.enqueue_indirect_dma source(%arg8 : memref<128xf32, #tpu.memory_space<vmem>>) target(%dma_start3A_43 : memref<10240xf32, #tpu.memory_space<vmem_shared>>) offsets(%arg7 : memref<128xi32, #tpu.memory_space<vmem>>) semaphore(%run_scoped3A : memref<!tpu.dma_semaphore, #tpu.memory_space<semaphore_mem>>) {add = true}
        %dma_wait3A = arith.constant 0 : i32
        %dma_wait3A_44 = tpu.memref_slice %arg11[%dma_wait3A] : memref<10240xf32, #tpu.memory_space<vmem_shared>> -> memref<10240xf32, #tpu.memory_space<vmem_shared>>
        tpu.wait_indirect_dma semaphore(%run_scoped3A : memref<!tpu.dma_semaphore, #tpu.memory_space<semaphore_mem>>) src(%arg8 : memref<128xf32, #tpu.memory_space<vmem>>) dst(%dma_wait3A_44 : memref<10240xf32, #tpu.memory_space<vmem_shared>>)
        tpu.yield
      }) : () -> ()
    }
    %scan3A_21 = arith.constant 81 : i32
    %barrier3A_22 = arith.constant 0 : index
    tpu.barrier barrier_id(%barrier3A_22)
    %mul3A_23 = arith.constant 640 : i32
    %mul3A_24 = arith.muli %arg1, %mul3A_23 : i32
    %mul3A_25 = arith.constant 10240 : i32
    %mul3A_26 = arith.muli %arg0, %mul3A_25 : i32
    %mul3A_27 = arith.constant 640 : i32
    %mul3A_28 = arith.muli %arg1, %mul3A_27 : i32
    %add3A_29 = arith.addi %mul3A_26, %mul3A_28 : i32
    "tpu.region"() ({
      %run_scoped3A = tpu.sem_alloc : memref<!tpu.dma_semaphore, #tpu.memory_space<semaphore_mem>>
      %dma_start3A = tpu.memref_slice %arg4[%add3A_29] : memref<20480xf32, #tpu.memory_space<hbm>> -> memref<640xf32, #tpu.memory_space<hbm>>
      %dma_start3A_37 = tpu.memref_slice %arg10[%mul3A_24] : memref<10240xf32, #tpu.memory_space<vmem_shared>> -> memref<640xf32, #tpu.memory_space<vmem_shared>>
      tpu.enqueue_dma source(%dma_start3A_37 : memref<640xf32, #tpu.memory_space<vmem_shared>>) target(%dma_start3A : memref<640xf32, #tpu.memory_space<hbm>>) target_semaphore(%run_scoped3A : memref<!tpu.dma_semaphore, #tpu.memory_space<semaphore_mem>>)
      %dma_wait3A = tpu.memref_slice %arg4[%add3A_29] : memref<20480xf32, #tpu.memory_space<hbm>> -> memref<640xf32, #tpu.memory_space<hbm>>
      %dma_wait3A_38 = tpu.memref_slice %arg10[%mul3A_24] : memref<10240xf32, #tpu.memory_space<vmem_shared>> -> memref<640xf32, #tpu.memory_space<vmem_shared>>
      tpu.wait_dma2 semaphore(%run_scoped3A : memref<!tpu.dma_semaphore, #tpu.memory_space<semaphore_mem>>) src(%dma_wait3A_38 : memref<640xf32, #tpu.memory_space<vmem_shared>>) dst(%dma_wait3A : memref<640xf32, #tpu.memory_space<hbm>>)
      tpu.yield
    }) : () -> ()
    %mul3A_30 = arith.constant 640 : i32
    %mul3A_31 = arith.muli %arg1, %mul3A_30 : i32
    %mul3A_32 = arith.constant 10240 : i32
    %mul3A_33 = arith.muli %arg0, %mul3A_32 : i32
    %mul3A_34 = arith.constant 640 : i32
    %mul3A_35 = arith.muli %arg1, %mul3A_34 : i32
    %add3A_36 = arith.addi %mul3A_33, %mul3A_35 : i32
    "tpu.region"() ({
      %run_scoped3A = tpu.sem_alloc : memref<!tpu.dma_semaphore, #tpu.memory_space<semaphore_mem>>
      %dma_start3A = tpu.memref_slice %arg5[%add3A_36] : memref<20480xf32, #tpu.memory_space<hbm>> -> memref<640xf32, #tpu.memory_space<hbm>>
      %dma_start3A_37 = tpu.memref_slice %arg11[%mul3A_31] : memref<10240xf32, #tpu.memory_space<vmem_shared>> -> memref<640xf32, #tpu.memory_space<vmem_shared>>
      tpu.enqueue_dma source(%dma_start3A_37 : memref<640xf32, #tpu.memory_space<vmem_shared>>) target(%dma_start3A : memref<640xf32, #tpu.memory_space<hbm>>) target_semaphore(%run_scoped3A : memref<!tpu.dma_semaphore, #tpu.memory_space<semaphore_mem>>)
      %dma_wait3A = tpu.memref_slice %arg5[%add3A_36] : memref<20480xf32, #tpu.memory_space<hbm>> -> memref<640xf32, #tpu.memory_space<hbm>>
      %dma_wait3A_38 = tpu.memref_slice %arg11[%mul3A_31] : memref<10240xf32, #tpu.memory_space<vmem_shared>> -> memref<640xf32, #tpu.memory_space<vmem_shared>>
      tpu.wait_dma2 semaphore(%run_scoped3A : memref<!tpu.dma_semaphore, #tpu.memory_space<semaphore_mem>>) src(%dma_wait3A_38 : memref<640xf32, #tpu.memory_space<vmem_shared>>) dst(%dma_wait3A : memref<640xf32, #tpu.memory_space<hbm>>)
      tpu.yield
    }) : () -> ()
    return
  }
}

#map = affine_map<(d0, d1) -> (0, 0)>
#map1 = affine_map<(d0, d1) -> (0)>
#map2 = affine_map<(d0, d1) -> (0, 0, 0)>
module attributes {stable_mosaic.version = 14 : i64} {
  func.func @k(%arg0: i32, %arg1: i32, %arg2: memref<10240x128xf32, #tpu.memory_space<hbm>>, %arg3: memref<331776xi32, #tpu.memory_space<hbm>>, %arg4: memref<331776xi32, #tpu.memory_space<hbm>>, %arg5: memref<2x10240x128xf32, #tpu.memory_space<hbm>>, %arg6: memref<128xi32, #tpu.memory_space<vmem>>, %arg7: memref<128xi32, #tpu.memory_space<vmem>>, %arg8: memref<128x128xf32, #tpu.memory_space<vmem>>, %arg9: memref<128x128xf32, #tpu.memory_space<vmem>>, %arg10: memref<10240x128xf32, #tpu.memory_space<vmem_shared>>, %arg11: memref<!tpu.dma_semaphore, #tpu.memory_space<semaphore_mem>>) attributes {dimension_semantics = [#tpu.dimension_semantics<core_parallel>, #tpu.dimension_semantics<subcore_parallel>], iteration_bounds = array<i64: 2, 16>, scalar_prefetch = 0 : i64, scratch_operands = 6 : i64, tpu.core_type = #tpu.core_type<sc_vector_subcore>, window_params = [{transform_indices = #map}, {transform_indices = #map1}, {transform_indices = #map1}, {transform_indices = #map2}]} {
    %mul3A = arith.constant 16 : i32
    %mul3A_0 = arith.muli %arg0, %mul3A : i32
    %add3A = arith.addi %mul3A_0, %arg1 : i32
    %scan3A = arith.constant 0 : i32
    %scan3A_1 = arith.constant 0 : i32
    %scan3A_2 = arith.constant 128 : i32
    %scan3A_3 = arith.addi %scan3A_1, %scan3A_2 : i32
    %scan3A_4 = arith.constant 1 : i32
    scf.for %scan3A_37 = %scan3A_1 to %scan3A_3 step %scan3A_4  : i32 {
      %broadcast_in_dim3A = arith.constant 0.000000e+00 : f32
      %broadcast_in_dim3A_38 = vector.broadcast %broadcast_in_dim3A : f32 to vector<16xf32>
      %swap3A = arith.index_cast %scan3A_37 : i32 to index
      %swap3A_39 = arith.constant 0 : index
      %swap3A_40 = tpu.vector_load %arg9[%swap3A, %swap3A_39] {strides = array<i32>} : memref<128x128xf32, #tpu.memory_space<vmem>>, vector<1x16xf32>,
      %swap3A_41 = vector.shape_cast %swap3A_40 : vector<1x16xf32> to vector<16xf32>
      %swap3A_42 = vector.shape_cast %broadcast_in_dim3A_38 : vector<16xf32> to vector<1x16xf32>
      tpu.vector_store %arg9[%swap3A, %swap3A_39], %swap3A_42 {strides = array<i32>} : memref<128x128xf32, #tpu.memory_space<vmem>>, vector<1x16xf32>,
      %broadcast_in_dim3A_43 = arith.constant 0.000000e+00 : f32
      %broadcast_in_dim3A_44 = vector.broadcast %broadcast_in_dim3A_43 : f32 to vector<16xf32>
      %swap3A_45 = arith.index_cast %scan3A_37 : i32 to index
      %swap3A_46 = arith.constant 16 : index
      %swap3A_47 = tpu.vector_load %arg9[%swap3A_45, %swap3A_46] {strides = array<i32>} : memref<128x128xf32, #tpu.memory_space<vmem>>, vector<1x16xf32>,
      %swap3A_48 = vector.shape_cast %swap3A_47 : vector<1x16xf32> to vector<16xf32>
      %swap3A_49 = vector.shape_cast %broadcast_in_dim3A_44 : vector<16xf32> to vector<1x16xf32>
      tpu.vector_store %arg9[%swap3A_45, %swap3A_46], %swap3A_49 {strides = array<i32>} : memref<128x128xf32, #tpu.memory_space<vmem>>, vector<1x16xf32>,
      %broadcast_in_dim3A_50 = arith.constant 0.000000e+00 : f32
      %broadcast_in_dim3A_51 = vector.broadcast %broadcast_in_dim3A_50 : f32 to vector<16xf32>
      %swap3A_52 = arith.index_cast %scan3A_37 : i32 to index
      %swap3A_53 = arith.constant 32 : index
      %swap3A_54 = tpu.vector_load %arg9[%swap3A_52, %swap3A_53] {strides = array<i32>} : memref<128x128xf32, #tpu.memory_space<vmem>>, vector<1x16xf32>,
      %swap3A_55 = vector.shape_cast %swap3A_54 : vector<1x16xf32> to vector<16xf32>
      %swap3A_56 = vector.shape_cast %broadcast_in_dim3A_51 : vector<16xf32> to vector<1x16xf32>
      tpu.vector_store %arg9[%swap3A_52, %swap3A_53], %swap3A_56 {strides = array<i32>} : memref<128x128xf32, #tpu.memory_space<vmem>>, vector<1x16xf32>,
      %broadcast_in_dim3A_57 = arith.constant 0.000000e+00 : f32
      %broadcast_in_dim3A_58 = vector.broadcast %broadcast_in_dim3A_57 : f32 to vector<16xf32>
      %swap3A_59 = arith.index_cast %scan3A_37 : i32 to index
      %swap3A_60 = arith.constant 48 : index
      %swap3A_61 = tpu.vector_load %arg9[%swap3A_59, %swap3A_60] {strides = array<i32>} : memref<128x128xf32, #tpu.memory_space<vmem>>, vector<1x16xf32>,
      %swap3A_62 = vector.shape_cast %swap3A_61 : vector<1x16xf32> to vector<16xf32>
      %swap3A_63 = vector.shape_cast %broadcast_in_dim3A_58 : vector<16xf32> to vector<1x16xf32>
      tpu.vector_store %arg9[%swap3A_59, %swap3A_60], %swap3A_63 {strides = array<i32>} : memref<128x128xf32, #tpu.memory_space<vmem>>, vector<1x16xf32>,
      %broadcast_in_dim3A_64 = arith.constant 0.000000e+00 : f32
      %broadcast_in_dim3A_65 = vector.broadcast %broadcast_in_dim3A_64 : f32 to vector<16xf32>
      %swap3A_66 = arith.index_cast %scan3A_37 : i32 to index
      %swap3A_67 = arith.constant 64 : index
      %swap3A_68 = tpu.vector_load %arg9[%swap3A_66, %swap3A_67] {strides = array<i32>} : memref<128x128xf32, #tpu.memory_space<vmem>>, vector<1x16xf32>,
      %swap3A_69 = vector.shape_cast %swap3A_68 : vector<1x16xf32> to vector<16xf32>
      %swap3A_70 = vector.shape_cast %broadcast_in_dim3A_65 : vector<16xf32> to vector<1x16xf32>
      tpu.vector_store %arg9[%swap3A_66, %swap3A_67], %swap3A_70 {strides = array<i32>} : memref<128x128xf32, #tpu.memory_space<vmem>>, vector<1x16xf32>,
      %broadcast_in_dim3A_71 = arith.constant 0.000000e+00 : f32
      %broadcast_in_dim3A_72 = vector.broadcast %broadcast_in_dim3A_71 : f32 to vector<16xf32>
      %swap3A_73 = arith.index_cast %scan3A_37 : i32 to index
      %swap3A_74 = arith.constant 80 : index
      %swap3A_75 = tpu.vector_load %arg9[%swap3A_73, %swap3A_74] {strides = array<i32>} : memref<128x128xf32, #tpu.memory_space<vmem>>, vector<1x16xf32>,
      %swap3A_76 = vector.shape_cast %swap3A_75 : vector<1x16xf32> to vector<16xf32>
      %swap3A_77 = vector.shape_cast %broadcast_in_dim3A_72 : vector<16xf32> to vector<1x16xf32>
      tpu.vector_store %arg9[%swap3A_73, %swap3A_74], %swap3A_77 {strides = array<i32>} : memref<128x128xf32, #tpu.memory_space<vmem>>, vector<1x16xf32>,
      %broadcast_in_dim3A_78 = arith.constant 0.000000e+00 : f32
      %broadcast_in_dim3A_79 = vector.broadcast %broadcast_in_dim3A_78 : f32 to vector<16xf32>
      %swap3A_80 = arith.index_cast %scan3A_37 : i32 to index
      %swap3A_81 = arith.constant 96 : index
      %swap3A_82 = tpu.vector_load %arg9[%swap3A_80, %swap3A_81] {strides = array<i32>} : memref<128x128xf32, #tpu.memory_space<vmem>>, vector<1x16xf32>,
      %swap3A_83 = vector.shape_cast %swap3A_82 : vector<1x16xf32> to vector<16xf32>
      %swap3A_84 = vector.shape_cast %broadcast_in_dim3A_79 : vector<16xf32> to vector<1x16xf32>
      tpu.vector_store %arg9[%swap3A_80, %swap3A_81], %swap3A_84 {strides = array<i32>} : memref<128x128xf32, #tpu.memory_space<vmem>>, vector<1x16xf32>,
      %broadcast_in_dim3A_85 = arith.constant 0.000000e+00 : f32
      %broadcast_in_dim3A_86 = vector.broadcast %broadcast_in_dim3A_85 : f32 to vector<16xf32>
      %swap3A_87 = arith.index_cast %scan3A_37 : i32 to index
      %swap3A_88 = arith.constant 112 : index
      %swap3A_89 = tpu.vector_load %arg9[%swap3A_87, %swap3A_88] {strides = array<i32>} : memref<128x128xf32, #tpu.memory_space<vmem>>, vector<1x16xf32>,
      %swap3A_90 = vector.shape_cast %swap3A_89 : vector<1x16xf32> to vector<16xf32>
      %swap3A_91 = vector.shape_cast %broadcast_in_dim3A_86 : vector<16xf32> to vector<1x16xf32>
      tpu.vector_store %arg9[%swap3A_87, %swap3A_88], %swap3A_91 {strides = array<i32>} : memref<128x128xf32, #tpu.memory_space<vmem>>, vector<1x16xf32>,
    }
    %scan3A_5 = arith.constant 128 : i32
    %mul3A_6 = arith.constant 640 : i32
    %mul3A_7 = arith.muli %arg1, %mul3A_6 : i32
    %add3A_8 = arith.constant 0 : i32
    %add3A_9 = arith.addi %mul3A_7, %add3A_8 : i32
    "tpu.region"() ({
      %run_scoped3A = tpu.sem_alloc : memref<!tpu.dma_semaphore, #tpu.memory_space<semaphore_mem>>
      %dma_start3A = arith.constant 0 : i32
      %dma_start3A_37 = tpu.memref_slice %arg10[%add3A_9, %dma_start3A] : memref<10240x128xf32, #tpu.memory_space<vmem_shared>> -> memref<128x128xf32, #tpu.memory_space<vmem_shared>>
      %dma_start3A_38 = arith.constant 0 : i32
      %dma_start3A_39 = tpu.memref_slice %arg10[%add3A_9, %dma_start3A_38] : memref<10240x128xf32, #tpu.memory_space<vmem_shared>> -> memref<128x128xf32, #tpu.memory_space<vmem_shared>>
      tpu.enqueue_dma source(%arg9 : memref<128x128xf32, #tpu.memory_space<vmem>>) target(%dma_start3A_39 : memref<128x128xf32, #tpu.memory_space<vmem_shared>>) target_semaphore(%run_scoped3A : memref<!tpu.dma_semaphore, #tpu.memory_space<semaphore_mem>>)
      %dma_wait3A = arith.constant 0 : i32
      %dma_wait3A_40 = tpu.memref_slice %arg10[%add3A_9, %dma_wait3A] : memref<10240x128xf32, #tpu.memory_space<vmem_shared>> -> memref<128x128xf32, #tpu.memory_space<vmem_shared>>
      %dma_wait3A_41 = arith.constant 0 : i32
      %dma_wait3A_42 = tpu.memref_slice %arg10[%add3A_9, %dma_wait3A_41] : memref<10240x128xf32, #tpu.memory_space<vmem_shared>> -> memref<128x128xf32, #tpu.memory_space<vmem_shared>>
      tpu.wait_dma2 semaphore(%run_scoped3A : memref<!tpu.dma_semaphore, #tpu.memory_space<semaphore_mem>>) src(%arg9 : memref<128x128xf32, #tpu.memory_space<vmem>>) dst(%dma_wait3A_42 : memref<128x128xf32, #tpu.memory_space<vmem_shared>>)
      tpu.yield
    }) : () -> ()
    %mul3A_10 = arith.constant 640 : i32
    %mul3A_11 = arith.muli %arg1, %mul3A_10 : i32
    %add3A_12 = arith.constant 128 : i32
    %add3A_13 = arith.addi %mul3A_11, %add3A_12 : i32
    "tpu.region"() ({
      %run_scoped3A = tpu.sem_alloc : memref<!tpu.dma_semaphore, #tpu.memory_space<semaphore_mem>>
      %dma_start3A = arith.constant 0 : i32
      %dma_start3A_37 = tpu.memref_slice %arg10[%add3A_13, %dma_start3A] : memref<10240x128xf32, #tpu.memory_space<vmem_shared>> -> memref<128x128xf32, #tpu.memory_space<vmem_shared>>
      %dma_start3A_38 = arith.constant 0 : i32
      %dma_start3A_39 = tpu.memref_slice %arg10[%add3A_13, %dma_start3A_38] : memref<10240x128xf32, #tpu.memory_space<vmem_shared>> -> memref<128x128xf32, #tpu.memory_space<vmem_shared>>
      tpu.enqueue_dma source(%arg9 : memref<128x128xf32, #tpu.memory_space<vmem>>) target(%dma_start3A_39 : memref<128x128xf32, #tpu.memory_space<vmem_shared>>) target_semaphore(%run_scoped3A : memref<!tpu.dma_semaphore, #tpu.memory_space<semaphore_mem>>)
      %dma_wait3A = arith.constant 0 : i32
      %dma_wait3A_40 = tpu.memref_slice %arg10[%add3A_13, %dma_wait3A] : memref<10240x128xf32, #tpu.memory_space<vmem_shared>> -> memref<128x128xf32, #tpu.memory_space<vmem_shared>>
      %dma_wait3A_41 = arith.constant 0 : i32
      %dma_wait3A_42 = tpu.memref_slice %arg10[%add3A_13, %dma_wait3A_41] : memref<10240x128xf32, #tpu.memory_space<vmem_shared>> -> memref<128x128xf32, #tpu.memory_space<vmem_shared>>
      tpu.wait_dma2 semaphore(%run_scoped3A : memref<!tpu.dma_semaphore, #tpu.memory_space<semaphore_mem>>) src(%arg9 : memref<128x128xf32, #tpu.memory_space<vmem>>) dst(%dma_wait3A_42 : memref<128x128xf32, #tpu.memory_space<vmem_shared>>)
      tpu.yield
    }) : () -> ()
    %mul3A_14 = arith.constant 640 : i32
    %mul3A_15 = arith.muli %arg1, %mul3A_14 : i32
    %add3A_16 = arith.constant 256 : i32
    %add3A_17 = arith.addi %mul3A_15, %add3A_16 : i32
    "tpu.region"() ({
      %run_scoped3A = tpu.sem_alloc : memref<!tpu.dma_semaphore, #tpu.memory_space<semaphore_mem>>
      %dma_start3A = arith.constant 0 : i32
      %dma_start3A_37 = tpu.memref_slice %arg10[%add3A_17, %dma_start3A] : memref<10240x128xf32, #tpu.memory_space<vmem_shared>> -> memref<128x128xf32, #tpu.memory_space<vmem_shared>>
      %dma_start3A_38 = arith.constant 0 : i32
      %dma_start3A_39 = tpu.memref_slice %arg10[%add3A_17, %dma_start3A_38] : memref<10240x128xf32, #tpu.memory_space<vmem_shared>> -> memref<128x128xf32, #tpu.memory_space<vmem_shared>>
      tpu.enqueue_dma source(%arg9 : memref<128x128xf32, #tpu.memory_space<vmem>>) target(%dma_start3A_39 : memref<128x128xf32, #tpu.memory_space<vmem_shared>>) target_semaphore(%run_scoped3A : memref<!tpu.dma_semaphore, #tpu.memory_space<semaphore_mem>>)
      %dma_wait3A = arith.constant 0 : i32
      %dma_wait3A_40 = tpu.memref_slice %arg10[%add3A_17, %dma_wait3A] : memref<10240x128xf32, #tpu.memory_space<vmem_shared>> -> memref<128x128xf32, #tpu.memory_space<vmem_shared>>
      %dma_wait3A_41 = arith.constant 0 : i32
      %dma_wait3A_42 = tpu.memref_slice %arg10[%add3A_17, %dma_wait3A_41] : memref<10240x128xf32, #tpu.memory_space<vmem_shared>> -> memref<128x128xf32, #tpu.memory_space<vmem_shared>>
      tpu.wait_dma2 semaphore(%run_scoped3A : memref<!tpu.dma_semaphore, #tpu.memory_space<semaphore_mem>>) src(%arg9 : memref<128x128xf32, #tpu.memory_space<vmem>>) dst(%dma_wait3A_42 : memref<128x128xf32, #tpu.memory_space<vmem_shared>>)
      tpu.yield
    }) : () -> ()
    %mul3A_18 = arith.constant 640 : i32
    %mul3A_19 = arith.muli %arg1, %mul3A_18 : i32
    %add3A_20 = arith.constant 384 : i32
    %add3A_21 = arith.addi %mul3A_19, %add3A_20 : i32
    "tpu.region"() ({
      %run_scoped3A = tpu.sem_alloc : memref<!tpu.dma_semaphore, #tpu.memory_space<semaphore_mem>>
      %dma_start3A = arith.constant 0 : i32
      %dma_start3A_37 = tpu.memref_slice %arg10[%add3A_21, %dma_start3A] : memref<10240x128xf32, #tpu.memory_space<vmem_shared>> -> memref<128x128xf32, #tpu.memory_space<vmem_shared>>
      %dma_start3A_38 = arith.constant 0 : i32
      %dma_start3A_39 = tpu.memref_slice %arg10[%add3A_21, %dma_start3A_38] : memref<10240x128xf32, #tpu.memory_space<vmem_shared>> -> memref<128x128xf32, #tpu.memory_space<vmem_shared>>
      tpu.enqueue_dma source(%arg9 : memref<128x128xf32, #tpu.memory_space<vmem>>) target(%dma_start3A_39 : memref<128x128xf32, #tpu.memory_space<vmem_shared>>) target_semaphore(%run_scoped3A : memref<!tpu.dma_semaphore, #tpu.memory_space<semaphore_mem>>)
      %dma_wait3A = arith.constant 0 : i32
      %dma_wait3A_40 = tpu.memref_slice %arg10[%add3A_21, %dma_wait3A] : memref<10240x128xf32, #tpu.memory_space<vmem_shared>> -> memref<128x128xf32, #tpu.memory_space<vmem_shared>>
      %dma_wait3A_41 = arith.constant 0 : i32
      %dma_wait3A_42 = tpu.memref_slice %arg10[%add3A_21, %dma_wait3A_41] : memref<10240x128xf32, #tpu.memory_space<vmem_shared>> -> memref<128x128xf32, #tpu.memory_space<vmem_shared>>
      tpu.wait_dma2 semaphore(%run_scoped3A : memref<!tpu.dma_semaphore, #tpu.memory_space<semaphore_mem>>) src(%arg9 : memref<128x128xf32, #tpu.memory_space<vmem>>) dst(%dma_wait3A_42 : memref<128x128xf32, #tpu.memory_space<vmem_shared>>)
      tpu.yield
    }) : () -> ()
    %mul3A_22 = arith.constant 640 : i32
    %mul3A_23 = arith.muli %arg1, %mul3A_22 : i32
    %add3A_24 = arith.constant 512 : i32
    %add3A_25 = arith.addi %mul3A_23, %add3A_24 : i32
    "tpu.region"() ({
      %run_scoped3A = tpu.sem_alloc : memref<!tpu.dma_semaphore, #tpu.memory_space<semaphore_mem>>
      %dma_start3A = arith.constant 0 : i32
      %dma_start3A_37 = tpu.memref_slice %arg10[%add3A_25, %dma_start3A] : memref<10240x128xf32, #tpu.memory_space<vmem_shared>> -> memref<128x128xf32, #tpu.memory_space<vmem_shared>>
      %dma_start3A_38 = arith.constant 0 : i32
      %dma_start3A_39 = tpu.memref_slice %arg10[%add3A_25, %dma_start3A_38] : memref<10240x128xf32, #tpu.memory_space<vmem_shared>> -> memref<128x128xf32, #tpu.memory_space<vmem_shared>>
      tpu.enqueue_dma source(%arg9 : memref<128x128xf32, #tpu.memory_space<vmem>>) target(%dma_start3A_39 : memref<128x128xf32, #tpu.memory_space<vmem_shared>>) target_semaphore(%run_scoped3A : memref<!tpu.dma_semaphore, #tpu.memory_space<semaphore_mem>>)
      %dma_wait3A = arith.constant 0 : i32
      %dma_wait3A_40 = tpu.memref_slice %arg10[%add3A_25, %dma_wait3A] : memref<10240x128xf32, #tpu.memory_space<vmem_shared>> -> memref<128x128xf32, #tpu.memory_space<vmem_shared>>
      %dma_wait3A_41 = arith.constant 0 : i32
      %dma_wait3A_42 = tpu.memref_slice %arg10[%add3A_25, %dma_wait3A_41] : memref<10240x128xf32, #tpu.memory_space<vmem_shared>> -> memref<128x128xf32, #tpu.memory_space<vmem_shared>>
      tpu.wait_dma2 semaphore(%run_scoped3A : memref<!tpu.dma_semaphore, #tpu.memory_space<semaphore_mem>>) src(%arg9 : memref<128x128xf32, #tpu.memory_space<vmem>>) dst(%dma_wait3A_42 : memref<128x128xf32, #tpu.memory_space<vmem_shared>>)
      tpu.yield
    }) : () -> ()
    %barrier3A = arith.constant 0 : index
    tpu.barrier barrier_id(%barrier3A)
    %scan3A_26 = arith.constant 0 : i32
    %scan3A_27 = arith.constant 0 : i32
    %scan3A_28 = arith.constant 81 : i32
    %scan3A_29 = arith.addi %scan3A_27, %scan3A_28 : i32
    %scan3A_30 = arith.constant 1 : i32
    scf.for %scan3A_37 = %scan3A_27 to %scan3A_29 step %scan3A_30  : i32 {
      %mul3A_38 = arith.constant 10368 : i32
      %mul3A_39 = arith.muli %add3A, %mul3A_38 : i32
      %mul3A_40 = arith.constant 128 : i32
      %mul3A_41 = arith.muli %scan3A_37, %mul3A_40 : i32
      %add3A_42 = arith.addi %mul3A_39, %mul3A_41 : i32
      "tpu.region"() ({
        %run_scoped3A = tpu.sem_alloc : memref<!tpu.dma_semaphore, #tpu.memory_space<semaphore_mem>>
        %dma_start3A_47 = tpu.memref_slice %arg3[%add3A_42] : memref<331776xi32, #tpu.memory_space<hbm>> -> memref<128xi32, #tpu.memory_space<hbm>>
        %dma_start3A_48 = tpu.memref_slice %arg3[%add3A_42] : memref<331776xi32, #tpu.memory_space<hbm>> -> memref<128xi32, #tpu.memory_space<hbm>>
        tpu.enqueue_dma source(%dma_start3A_48 : memref<128xi32, #tpu.memory_space<hbm>>) target(%arg6 : memref<128xi32, #tpu.memory_space<vmem>>) target_semaphore(%run_scoped3A : memref<!tpu.dma_semaphore, #tpu.memory_space<semaphore_mem>>)
        %dma_wait3A_49 = tpu.memref_slice %arg3[%add3A_42] : memref<331776xi32, #tpu.memory_space<hbm>> -> memref<128xi32, #tpu.memory_space<hbm>>
        %dma_wait3A_50 = tpu.memref_slice %arg3[%add3A_42] : memref<331776xi32, #tpu.memory_space<hbm>> -> memref<128xi32, #tpu.memory_space<hbm>>
        tpu.wait_dma2 semaphore(%run_scoped3A : memref<!tpu.dma_semaphore, #tpu.memory_space<semaphore_mem>>) src(%dma_wait3A_50 : memref<128xi32, #tpu.memory_space<hbm>>) dst(%arg6 : memref<128xi32, #tpu.memory_space<vmem>>)
        tpu.yield
      }) : () -> ()
      "tpu.region"() ({
        %run_scoped3A = tpu.sem_alloc : memref<!tpu.dma_semaphore, #tpu.memory_space<semaphore_mem>>
        %dma_start3A_47 = tpu.memref_slice %arg4[%add3A_42] : memref<331776xi32, #tpu.memory_space<hbm>> -> memref<128xi32, #tpu.memory_space<hbm>>
        %dma_start3A_48 = tpu.memref_slice %arg4[%add3A_42] : memref<331776xi32, #tpu.memory_space<hbm>> -> memref<128xi32, #tpu.memory_space<hbm>>
        tpu.enqueue_dma source(%dma_start3A_48 : memref<128xi32, #tpu.memory_space<hbm>>) target(%arg7 : memref<128xi32, #tpu.memory_space<vmem>>) target_semaphore(%run_scoped3A : memref<!tpu.dma_semaphore, #tpu.memory_space<semaphore_mem>>)
        %dma_wait3A_49 = tpu.memref_slice %arg4[%add3A_42] : memref<331776xi32, #tpu.memory_space<hbm>> -> memref<128xi32, #tpu.memory_space<hbm>>
        %dma_wait3A_50 = tpu.memref_slice %arg4[%add3A_42] : memref<331776xi32, #tpu.memory_space<hbm>> -> memref<128xi32, #tpu.memory_space<hbm>>
        tpu.wait_dma2 semaphore(%run_scoped3A : memref<!tpu.dma_semaphore, #tpu.memory_space<semaphore_mem>>) src(%dma_wait3A_50 : memref<128xi32, #tpu.memory_space<hbm>>) dst(%arg7 : memref<128xi32, #tpu.memory_space<vmem>>)
        tpu.yield
      }) : () -> ()
      %dma_start3A = arith.constant 0 : i32
      %dma_start3A_43 = arith.constant 0 : i32
      %dma_start3A_44 = tpu.memref_slice %arg2[%dma_start3A, %dma_start3A_43] : memref<10240x128xf32, #tpu.memory_space<hbm>> -> memref<10240x128xf32, #tpu.memory_space<hbm>>
      tpu.enqueue_indirect_dma source(%dma_start3A_44 : memref<10240x128xf32, #tpu.memory_space<hbm>>) target(%arg8 : memref<128x128xf32, #tpu.memory_space<vmem>>) offsets(%arg6 : memref<128xi32, #tpu.memory_space<vmem>>) semaphore(%arg11 : memref<!tpu.dma_semaphore, #tpu.memory_space<semaphore_mem>>)
      %dma_wait3A = arith.constant 0 : i32
      %dma_wait3A_45 = arith.constant 0 : i32
      %dma_wait3A_46 = tpu.memref_slice %arg2[%dma_wait3A, %dma_wait3A_45] : memref<10240x128xf32, #tpu.memory_space<hbm>> -> memref<10240x128xf32, #tpu.memory_space<hbm>>
      tpu.wait_indirect_dma semaphore(%arg11 : memref<!tpu.dma_semaphore, #tpu.memory_space<semaphore_mem>>) src(%dma_wait3A_46 : memref<10240x128xf32, #tpu.memory_space<hbm>>) dst(%arg8 : memref<128x128xf32, #tpu.memory_space<vmem>>)
      "tpu.region"() ({
        %run_scoped3A = tpu.sem_alloc : memref<!tpu.dma_semaphore, #tpu.memory_space<semaphore_mem>>
        %dma_start3A_47 = arith.constant 0 : i32
        %dma_start3A_48 = arith.constant 0 : i32
        %dma_start3A_49 = tpu.memref_slice %arg10[%dma_start3A_47, %dma_start3A_48] : memref<10240x128xf32, #tpu.memory_space<vmem_shared>> -> memref<10240x128xf32, #tpu.memory_space<vmem_shared>>
        tpu.enqueue_indirect_dma source(%arg8 : memref<128x128xf32, #tpu.memory_space<vmem>>) target(%dma_start3A_49 : memref<10240x128xf32, #tpu.memory_space<vmem_shared>>) offsets(%arg7 : memref<128xi32, #tpu.memory_space<vmem>>) semaphore(%run_scoped3A : memref<!tpu.dma_semaphore, #tpu.memory_space<semaphore_mem>>) {add = true}
        %dma_wait3A_50 = arith.constant 0 : i32
        %dma_wait3A_51 = arith.constant 0 : i32
        %dma_wait3A_52 = tpu.memref_slice %arg10[%dma_wait3A_50, %dma_wait3A_51] : memref<10240x128xf32, #tpu.memory_space<vmem_shared>> -> memref<10240x128xf32, #tpu.memory_space<vmem_shared>>
        tpu.wait_indirect_dma semaphore(%run_scoped3A : memref<!tpu.dma_semaphore, #tpu.memory_space<semaphore_mem>>) src(%arg8 : memref<128x128xf32, #tpu.memory_space<vmem>>) dst(%dma_wait3A_52 : memref<10240x128xf32, #tpu.memory_space<vmem_shared>>)
        tpu.yield
      }) : () -> ()
    }
    %scan3A_31 = arith.constant 81 : i32
    %barrier3A_32 = arith.constant 0 : index
    tpu.barrier barrier_id(%barrier3A_32)
    %mul3A_33 = arith.constant 640 : i32
    %mul3A_34 = arith.muli %arg1, %mul3A_33 : i32
    %mul3A_35 = arith.constant 640 : i32
    %mul3A_36 = arith.muli %arg1, %mul3A_35 : i32
    "tpu.region"() ({
      %run_scoped3A = tpu.sem_alloc : memref<!tpu.dma_semaphore, #tpu.memory_space<semaphore_mem>>
      %dma_start3A = arith.constant 0 : i32
      %dma_start3A_37 = tpu.memref_slice %arg5[%arg0, %mul3A_36, %dma_start3A] : memref<2x10240x128xf32, #tpu.memory_space<hbm>> -> memref<1x640x128xf32, #tpu.memory_space<hbm>>
      %dma_start3A_38 = tpu.memref_squeeze %dma_start3A_37 : memref<1x640x128xf32, #tpu.memory_space<hbm>> -> memref<640x128xf32, #tpu.memory_space<hbm>>
      %dma_start3A_39 = arith.constant 0 : i32
      %dma_start3A_40 = tpu.memref_slice %arg10[%mul3A_34, %dma_start3A_39] : memref<10240x128xf32, #tpu.memory_space<vmem_shared>> -> memref<640x128xf32, #tpu.memory_space<vmem_shared>>
      tpu.enqueue_dma source(%dma_start3A_40 : memref<640x128xf32, #tpu.memory_space<vmem_shared>>) target(%dma_start3A_38 : memref<640x128xf32, #tpu.memory_space<hbm>>) target_semaphore(%run_scoped3A : memref<!tpu.dma_semaphore, #tpu.memory_space<semaphore_mem>>)
      %dma_wait3A = arith.constant 0 : i32
      %dma_wait3A_41 = tpu.memref_slice %arg5[%arg0, %mul3A_36, %dma_wait3A] : memref<2x10240x128xf32, #tpu.memory_space<hbm>> -> memref<1x640x128xf32, #tpu.memory_space<hbm>>
      %dma_wait3A_42 = tpu.memref_squeeze %dma_wait3A_41 : memref<1x640x128xf32, #tpu.memory_space<hbm>> -> memref<640x128xf32, #tpu.memory_space<hbm>>
      %dma_wait3A_43 = arith.constant 0 : i32
      %dma_wait3A_44 = tpu.memref_slice %arg10[%mul3A_34, %dma_wait3A_43] : memref<10240x128xf32, #tpu.memory_space<vmem_shared>> -> memref<640x128xf32, #tpu.memory_space<vmem_shared>>
      tpu.wait_dma2 semaphore(%run_scoped3A : memref<!tpu.dma_semaphore, #tpu.memory_space<semaphore_mem>>) src(%dma_wait3A_44 : memref<640x128xf32, #tpu.memory_space<vmem_shared>>) dst(%dma_wait3A_42 : memref<640x128xf32, #tpu.memory_space<hbm>>)
      tpu.yield
    }) : () -> ()
    return
  }
}

#map = affine_map<(d0, d1) -> (0, 0)>
#map1 = affine_map<(d0, d1) -> (0)>
#map2 = affine_map<(d0, d1) -> (0, 0, 0)>
module attributes {stable_mosaic.version = 14 : i64} {
  func.func @k(%arg0: i32, %arg1: i32, %arg2: memref<10240x128xf32, #tpu.memory_space<hbm>>, %arg3: memref<331776xi32, #tpu.memory_space<hbm>>, %arg4: memref<331776xi32, #tpu.memory_space<hbm>>, %arg5: memref<2x10240x128xf32, #tpu.memory_space<hbm>>, %arg6: memref<128xi32, #tpu.memory_space<vmem>>, %arg7: memref<128xi32, #tpu.memory_space<vmem>>, %arg8: memref<128x128xf32, #tpu.memory_space<vmem>>, %arg9: memref<128x128xf32, #tpu.memory_space<vmem>>, %arg10: memref<10240x128xf32, #tpu.memory_space<vmem_shared>>, %arg11: memref<!tpu.dma_semaphore, #tpu.memory_space<semaphore_mem>>) attributes {dimension_semantics = [#tpu.dimension_semantics<core_parallel>, #tpu.dimension_semantics<subcore_parallel>], iteration_bounds = array<i64: 2, 16>, scalar_prefetch = 0 : i64, scratch_operands = 6 : i64, tpu.core_type = #tpu.core_type<sc_vector_subcore>, window_params = [{transform_indices = #map}, {transform_indices = #map1}, {transform_indices = #map1}, {transform_indices = #map2}]} {
    %mul3A = arith.constant 16 : i32
    %mul3A_0 = arith.muli %arg0, %mul3A : i32
    %add3A = arith.addi %mul3A_0, %arg1 : i32
    %scan3A = arith.constant 0 : i32
    %scan3A_1 = arith.constant 0 : i32
    %scan3A_2 = arith.constant 128 : i32
    %scan3A_3 = arith.addi %scan3A_1, %scan3A_2 : i32
    %scan3A_4 = arith.constant 1 : i32
    scf.for %scan3A_37 = %scan3A_1 to %scan3A_3 step %scan3A_4  : i32 {
      %broadcast_in_dim3A = arith.constant 0.000000e+00 : f32
      %broadcast_in_dim3A_38 = vector.broadcast %broadcast_in_dim3A : f32 to vector<16xf32>
      %swap3A = arith.index_cast %scan3A_37 : i32 to index
      %swap3A_39 = arith.constant 0 : index
      %swap3A_40 = tpu.vector_load %arg9[%swap3A, %swap3A_39] {strides = array<i32>} : memref<128x128xf32, #tpu.memory_space<vmem>>, vector<1x16xf32>,
      %swap3A_41 = vector.shape_cast %swap3A_40 : vector<1x16xf32> to vector<16xf32>
      %swap3A_42 = vector.shape_cast %broadcast_in_dim3A_38 : vector<16xf32> to vector<1x16xf32>
      tpu.vector_store %arg9[%swap3A, %swap3A_39], %swap3A_42 {strides = array<i32>} : memref<128x128xf32, #tpu.memory_space<vmem>>, vector<1x16xf32>,
      %broadcast_in_dim3A_43 = arith.constant 0.000000e+00 : f32
      %broadcast_in_dim3A_44 = vector.broadcast %broadcast_in_dim3A_43 : f32 to vector<16xf32>
      %swap3A_45 = arith.index_cast %scan3A_37 : i32 to index
      %swap3A_46 = arith.constant 16 : index
      %swap3A_47 = tpu.vector_load %arg9[%swap3A_45, %swap3A_46] {strides = array<i32>} : memref<128x128xf32, #tpu.memory_space<vmem>>, vector<1x16xf32>,
      %swap3A_48 = vector.shape_cast %swap3A_47 : vector<1x16xf32> to vector<16xf32>
      %swap3A_49 = vector.shape_cast %broadcast_in_dim3A_44 : vector<16xf32> to vector<1x16xf32>
      tpu.vector_store %arg9[%swap3A_45, %swap3A_46], %swap3A_49 {strides = array<i32>} : memref<128x128xf32, #tpu.memory_space<vmem>>, vector<1x16xf32>,
      %broadcast_in_dim3A_50 = arith.constant 0.000000e+00 : f32
      %broadcast_in_dim3A_51 = vector.broadcast %broadcast_in_dim3A_50 : f32 to vector<16xf32>
      %swap3A_52 = arith.index_cast %scan3A_37 : i32 to index
      %swap3A_53 = arith.constant 32 : index
      %swap3A_54 = tpu.vector_load %arg9[%swap3A_52, %swap3A_53] {strides = array<i32>} : memref<128x128xf32, #tpu.memory_space<vmem>>, vector<1x16xf32>,
      %swap3A_55 = vector.shape_cast %swap3A_54 : vector<1x16xf32> to vector<16xf32>
      %swap3A_56 = vector.shape_cast %broadcast_in_dim3A_51 : vector<16xf32> to vector<1x16xf32>
      tpu.vector_store %arg9[%swap3A_52, %swap3A_53], %swap3A_56 {strides = array<i32>} : memref<128x128xf32, #tpu.memory_space<vmem>>, vector<1x16xf32>,
      %broadcast_in_dim3A_57 = arith.constant 0.000000e+00 : f32
      %broadcast_in_dim3A_58 = vector.broadcast %broadcast_in_dim3A_57 : f32 to vector<16xf32>
      %swap3A_59 = arith.index_cast %scan3A_37 : i32 to index
      %swap3A_60 = arith.constant 48 : index
      %swap3A_61 = tpu.vector_load %arg9[%swap3A_59, %swap3A_60] {strides = array<i32>} : memref<128x128xf32, #tpu.memory_space<vmem>>, vector<1x16xf32>,
      %swap3A_62 = vector.shape_cast %swap3A_61 : vector<1x16xf32> to vector<16xf32>
      %swap3A_63 = vector.shape_cast %broadcast_in_dim3A_58 : vector<16xf32> to vector<1x16xf32>
      tpu.vector_store %arg9[%swap3A_59, %swap3A_60], %swap3A_63 {strides = array<i32>} : memref<128x128xf32, #tpu.memory_space<vmem>>, vector<1x16xf32>,
      %broadcast_in_dim3A_64 = arith.constant 0.000000e+00 : f32
      %broadcast_in_dim3A_65 = vector.broadcast %broadcast_in_dim3A_64 : f32 to vector<16xf32>
      %swap3A_66 = arith.index_cast %scan3A_37 : i32 to index
      %swap3A_67 = arith.constant 64 : index
      %swap3A_68 = tpu.vector_load %arg9[%swap3A_66, %swap3A_67] {strides = array<i32>} : memref<128x128xf32, #tpu.memory_space<vmem>>, vector<1x16xf32>,
      %swap3A_69 = vector.shape_cast %swap3A_68 : vector<1x16xf32> to vector<16xf32>
      %swap3A_70 = vector.shape_cast %broadcast_in_dim3A_65 : vector<16xf32> to vector<1x16xf32>
      tpu.vector_store %arg9[%swap3A_66, %swap3A_67], %swap3A_70 {strides = array<i32>} : memref<128x128xf32, #tpu.memory_space<vmem>>, vector<1x16xf32>,
      %broadcast_in_dim3A_71 = arith.constant 0.000000e+00 : f32
      %broadcast_in_dim3A_72 = vector.broadcast %broadcast_in_dim3A_71 : f32 to vector<16xf32>
      %swap3A_73 = arith.index_cast %scan3A_37 : i32 to index
      %swap3A_74 = arith.constant 80 : index
      %swap3A_75 = tpu.vector_load %arg9[%swap3A_73, %swap3A_74] {strides = array<i32>} : memref<128x128xf32, #tpu.memory_space<vmem>>, vector<1x16xf32>,
      %swap3A_76 = vector.shape_cast %swap3A_75 : vector<1x16xf32> to vector<16xf32>
      %swap3A_77 = vector.shape_cast %broadcast_in_dim3A_72 : vector<16xf32> to vector<1x16xf32>
      tpu.vector_store %arg9[%swap3A_73, %swap3A_74], %swap3A_77 {strides = array<i32>} : memref<128x128xf32, #tpu.memory_space<vmem>>, vector<1x16xf32>,
      %broadcast_in_dim3A_78 = arith.constant 0.000000e+00 : f32
      %broadcast_in_dim3A_79 = vector.broadcast %broadcast_in_dim3A_78 : f32 to vector<16xf32>
      %swap3A_80 = arith.index_cast %scan3A_37 : i32 to index
      %swap3A_81 = arith.constant 96 : index
      %swap3A_82 = tpu.vector_load %arg9[%swap3A_80, %swap3A_81] {strides = array<i32>} : memref<128x128xf32, #tpu.memory_space<vmem>>, vector<1x16xf32>,
      %swap3A_83 = vector.shape_cast %swap3A_82 : vector<1x16xf32> to vector<16xf32>
      %swap3A_84 = vector.shape_cast %broadcast_in_dim3A_79 : vector<16xf32> to vector<1x16xf32>
      tpu.vector_store %arg9[%swap3A_80, %swap3A_81], %swap3A_84 {strides = array<i32>} : memref<128x128xf32, #tpu.memory_space<vmem>>, vector<1x16xf32>,
      %broadcast_in_dim3A_85 = arith.constant 0.000000e+00 : f32
      %broadcast_in_dim3A_86 = vector.broadcast %broadcast_in_dim3A_85 : f32 to vector<16xf32>
      %swap3A_87 = arith.index_cast %scan3A_37 : i32 to index
      %swap3A_88 = arith.constant 112 : index
      %swap3A_89 = tpu.vector_load %arg9[%swap3A_87, %swap3A_88] {strides = array<i32>} : memref<128x128xf32, #tpu.memory_space<vmem>>, vector<1x16xf32>,
      %swap3A_90 = vector.shape_cast %swap3A_89 : vector<1x16xf32> to vector<16xf32>
      %swap3A_91 = vector.shape_cast %broadcast_in_dim3A_86 : vector<16xf32> to vector<1x16xf32>
      tpu.vector_store %arg9[%swap3A_87, %swap3A_88], %swap3A_91 {strides = array<i32>} : memref<128x128xf32, #tpu.memory_space<vmem>>, vector<1x16xf32>,
    }
    %scan3A_5 = arith.constant 128 : i32
    %mul3A_6 = arith.constant 640 : i32
    %mul3A_7 = arith.muli %arg1, %mul3A_6 : i32
    %add3A_8 = arith.constant 0 : i32
    %add3A_9 = arith.addi %mul3A_7, %add3A_8 : i32
    "tpu.region"() ({
      %run_scoped3A = tpu.sem_alloc : memref<!tpu.dma_semaphore, #tpu.memory_space<semaphore_mem>>
      %dma_start3A = arith.constant 0 : i32
      %dma_start3A_37 = tpu.memref_slice %arg10[%add3A_9, %dma_start3A] : memref<10240x128xf32, #tpu.memory_space<vmem_shared>> -> memref<128x128xf32, #tpu.memory_space<vmem_shared>>
      %dma_start3A_38 = arith.constant 0 : i32
      %dma_start3A_39 = tpu.memref_slice %arg10[%add3A_9, %dma_start3A_38] : memref<10240x128xf32, #tpu.memory_space<vmem_shared>> -> memref<128x128xf32, #tpu.memory_space<vmem_shared>>
      tpu.enqueue_dma source(%arg9 : memref<128x128xf32, #tpu.memory_space<vmem>>) target(%dma_start3A_39 : memref<128x128xf32, #tpu.memory_space<vmem_shared>>) target_semaphore(%run_scoped3A : memref<!tpu.dma_semaphore, #tpu.memory_space<semaphore_mem>>)
      %dma_wait3A = arith.constant 0 : i32
      %dma_wait3A_40 = tpu.memref_slice %arg10[%add3A_9, %dma_wait3A] : memref<10240x128xf32, #tpu.memory_space<vmem_shared>> -> memref<128x128xf32, #tpu.memory_space<vmem_shared>>
      %dma_wait3A_41 = arith.constant 0 : i32
      %dma_wait3A_42 = tpu.memref_slice %arg10[%add3A_9, %dma_wait3A_41] : memref<10240x128xf32, #tpu.memory_space<vmem_shared>> -> memref<128x128xf32, #tpu.memory_space<vmem_shared>>
      tpu.wait_dma2 semaphore(%run_scoped3A : memref<!tpu.dma_semaphore, #tpu.memory_space<semaphore_mem>>) src(%arg9 : memref<128x128xf32, #tpu.memory_space<vmem>>) dst(%dma_wait3A_42 : memref<128x128xf32, #tpu.memory_space<vmem_shared>>)
      tpu.yield
    }) : () -> ()
    %mul3A_10 = arith.constant 640 : i32
    %mul3A_11 = arith.muli %arg1, %mul3A_10 : i32
    %add3A_12 = arith.constant 128 : i32
    %add3A_13 = arith.addi %mul3A_11, %add3A_12 : i32
    "tpu.region"() ({
      %run_scoped3A = tpu.sem_alloc : memref<!tpu.dma_semaphore, #tpu.memory_space<semaphore_mem>>
      %dma_start3A = arith.constant 0 : i32
      %dma_start3A_37 = tpu.memref_slice %arg10[%add3A_13, %dma_start3A] : memref<10240x128xf32, #tpu.memory_space<vmem_shared>> -> memref<128x128xf32, #tpu.memory_space<vmem_shared>>
      %dma_start3A_38 = arith.constant 0 : i32
      %dma_start3A_39 = tpu.memref_slice %arg10[%add3A_13, %dma_start3A_38] : memref<10240x128xf32, #tpu.memory_space<vmem_shared>> -> memref<128x128xf32, #tpu.memory_space<vmem_shared>>
      tpu.enqueue_dma source(%arg9 : memref<128x128xf32, #tpu.memory_space<vmem>>) target(%dma_start3A_39 : memref<128x128xf32, #tpu.memory_space<vmem_shared>>) target_semaphore(%run_scoped3A : memref<!tpu.dma_semaphore, #tpu.memory_space<semaphore_mem>>)
      %dma_wait3A = arith.constant 0 : i32
      %dma_wait3A_40 = tpu.memref_slice %arg10[%add3A_13, %dma_wait3A] : memref<10240x128xf32, #tpu.memory_space<vmem_shared>> -> memref<128x128xf32, #tpu.memory_space<vmem_shared>>
      %dma_wait3A_41 = arith.constant 0 : i32
      %dma_wait3A_42 = tpu.memref_slice %arg10[%add3A_13, %dma_wait3A_41] : memref<10240x128xf32, #tpu.memory_space<vmem_shared>> -> memref<128x128xf32, #tpu.memory_space<vmem_shared>>
      tpu.wait_dma2 semaphore(%run_scoped3A : memref<!tpu.dma_semaphore, #tpu.memory_space<semaphore_mem>>) src(%arg9 : memref<128x128xf32, #tpu.memory_space<vmem>>) dst(%dma_wait3A_42 : memref<128x128xf32, #tpu.memory_space<vmem_shared>>)
      tpu.yield
    }) : () -> ()
    %mul3A_14 = arith.constant 640 : i32
    %mul3A_15 = arith.muli %arg1, %mul3A_14 : i32
    %add3A_16 = arith.constant 256 : i32
    %add3A_17 = arith.addi %mul3A_15, %add3A_16 : i32
    "tpu.region"() ({
      %run_scoped3A = tpu.sem_alloc : memref<!tpu.dma_semaphore, #tpu.memory_space<semaphore_mem>>
      %dma_start3A = arith.constant 0 : i32
      %dma_start3A_37 = tpu.memref_slice %arg10[%add3A_17, %dma_start3A] : memref<10240x128xf32, #tpu.memory_space<vmem_shared>> -> memref<128x128xf32, #tpu.memory_space<vmem_shared>>
      %dma_start3A_38 = arith.constant 0 : i32
      %dma_start3A_39 = tpu.memref_slice %arg10[%add3A_17, %dma_start3A_38] : memref<10240x128xf32, #tpu.memory_space<vmem_shared>> -> memref<128x128xf32, #tpu.memory_space<vmem_shared>>
      tpu.enqueue_dma source(%arg9 : memref<128x128xf32, #tpu.memory_space<vmem>>) target(%dma_start3A_39 : memref<128x128xf32, #tpu.memory_space<vmem_shared>>) target_semaphore(%run_scoped3A : memref<!tpu.dma_semaphore, #tpu.memory_space<semaphore_mem>>)
      %dma_wait3A = arith.constant 0 : i32
      %dma_wait3A_40 = tpu.memref_slice %arg10[%add3A_17, %dma_wait3A] : memref<10240x128xf32, #tpu.memory_space<vmem_shared>> -> memref<128x128xf32, #tpu.memory_space<vmem_shared>>
      %dma_wait3A_41 = arith.constant 0 : i32
      %dma_wait3A_42 = tpu.memref_slice %arg10[%add3A_17, %dma_wait3A_41] : memref<10240x128xf32, #tpu.memory_space<vmem_shared>> -> memref<128x128xf32, #tpu.memory_space<vmem_shared>>
      tpu.wait_dma2 semaphore(%run_scoped3A : memref<!tpu.dma_semaphore, #tpu.memory_space<semaphore_mem>>) src(%arg9 : memref<128x128xf32, #tpu.memory_space<vmem>>) dst(%dma_wait3A_42 : memref<128x128xf32, #tpu.memory_space<vmem_shared>>)
      tpu.yield
    }) : () -> ()
    %mul3A_18 = arith.constant 640 : i32
    %mul3A_19 = arith.muli %arg1, %mul3A_18 : i32
    %add3A_20 = arith.constant 384 : i32
    %add3A_21 = arith.addi %mul3A_19, %add3A_20 : i32
    "tpu.region"() ({
      %run_scoped3A = tpu.sem_alloc : memref<!tpu.dma_semaphore, #tpu.memory_space<semaphore_mem>>
      %dma_start3A = arith.constant 0 : i32
      %dma_start3A_37 = tpu.memref_slice %arg10[%add3A_21, %dma_start3A] : memref<10240x128xf32, #tpu.memory_space<vmem_shared>> -> memref<128x128xf32, #tpu.memory_space<vmem_shared>>
      %dma_start3A_38 = arith.constant 0 : i32
      %dma_start3A_39 = tpu.memref_slice %arg10[%add3A_21, %dma_start3A_38] : memref<10240x128xf32, #tpu.memory_space<vmem_shared>> -> memref<128x128xf32, #tpu.memory_space<vmem_shared>>
      tpu.enqueue_dma source(%arg9 : memref<128x128xf32, #tpu.memory_space<vmem>>) target(%dma_start3A_39 : memref<128x128xf32, #tpu.memory_space<vmem_shared>>) target_semaphore(%run_scoped3A : memref<!tpu.dma_semaphore, #tpu.memory_space<semaphore_mem>>)
      %dma_wait3A = arith.constant 0 : i32
      %dma_wait3A_40 = tpu.memref_slice %arg10[%add3A_21, %dma_wait3A] : memref<10240x128xf32, #tpu.memory_space<vmem_shared>> -> memref<128x128xf32, #tpu.memory_space<vmem_shared>>
      %dma_wait3A_41 = arith.constant 0 : i32
      %dma_wait3A_42 = tpu.memref_slice %arg10[%add3A_21, %dma_wait3A_41] : memref<10240x128xf32, #tpu.memory_space<vmem_shared>> -> memref<128x128xf32, #tpu.memory_space<vmem_shared>>
      tpu.wait_dma2 semaphore(%run_scoped3A : memref<!tpu.dma_semaphore, #tpu.memory_space<semaphore_mem>>) src(%arg9 : memref<128x128xf32, #tpu.memory_space<vmem>>) dst(%dma_wait3A_42 : memref<128x128xf32, #tpu.memory_space<vmem_shared>>)
      tpu.yield
    }) : () -> ()
    %mul3A_22 = arith.constant 640 : i32
    %mul3A_23 = arith.muli %arg1, %mul3A_22 : i32
    %add3A_24 = arith.constant 512 : i32
    %add3A_25 = arith.addi %mul3A_23, %add3A_24 : i32
    "tpu.region"() ({
      %run_scoped3A = tpu.sem_alloc : memref<!tpu.dma_semaphore, #tpu.memory_space<semaphore_mem>>
      %dma_start3A = arith.constant 0 : i32
      %dma_start3A_37 = tpu.memref_slice %arg10[%add3A_25, %dma_start3A] : memref<10240x128xf32, #tpu.memory_space<vmem_shared>> -> memref<128x128xf32, #tpu.memory_space<vmem_shared>>
      %dma_start3A_38 = arith.constant 0 : i32
      %dma_start3A_39 = tpu.memref_slice %arg10[%add3A_25, %dma_start3A_38] : memref<10240x128xf32, #tpu.memory_space<vmem_shared>> -> memref<128x128xf32, #tpu.memory_space<vmem_shared>>
      tpu.enqueue_dma source(%arg9 : memref<128x128xf32, #tpu.memory_space<vmem>>) target(%dma_start3A_39 : memref<128x128xf32, #tpu.memory_space<vmem_shared>>) target_semaphore(%run_scoped3A : memref<!tpu.dma_semaphore, #tpu.memory_space<semaphore_mem>>)
      %dma_wait3A = arith.constant 0 : i32
      %dma_wait3A_40 = tpu.memref_slice %arg10[%add3A_25, %dma_wait3A] : memref<10240x128xf32, #tpu.memory_space<vmem_shared>> -> memref<128x128xf32, #tpu.memory_space<vmem_shared>>
      %dma_wait3A_41 = arith.constant 0 : i32
      %dma_wait3A_42 = tpu.memref_slice %arg10[%add3A_25, %dma_wait3A_41] : memref<10240x128xf32, #tpu.memory_space<vmem_shared>> -> memref<128x128xf32, #tpu.memory_space<vmem_shared>>
      tpu.wait_dma2 semaphore(%run_scoped3A : memref<!tpu.dma_semaphore, #tpu.memory_space<semaphore_mem>>) src(%arg9 : memref<128x128xf32, #tpu.memory_space<vmem>>) dst(%dma_wait3A_42 : memref<128x128xf32, #tpu.memory_space<vmem_shared>>)
      tpu.yield
    }) : () -> ()
    %barrier3A = arith.constant 0 : index
    tpu.barrier barrier_id(%barrier3A)
    %scan3A_26 = arith.constant 0 : i32
    %scan3A_27 = arith.constant 0 : i32
    %scan3A_28 = arith.constant 81 : i32
    %scan3A_29 = arith.addi %scan3A_27, %scan3A_28 : i32
    %scan3A_30 = arith.constant 1 : i32
    scf.for %scan3A_37 = %scan3A_27 to %scan3A_29 step %scan3A_30  : i32 {
      %mul3A_38 = arith.constant 10368 : i32
      %mul3A_39 = arith.muli %add3A, %mul3A_38 : i32
      %mul3A_40 = arith.constant 128 : i32
      %mul3A_41 = arith.muli %scan3A_37, %mul3A_40 : i32
      %add3A_42 = arith.addi %mul3A_39, %mul3A_41 : i32
      "tpu.region"() ({
        %run_scoped3A = tpu.sem_alloc : memref<!tpu.dma_semaphore, #tpu.memory_space<semaphore_mem>>
        %dma_start3A_47 = tpu.memref_slice %arg3[%add3A_42] : memref<331776xi32, #tpu.memory_space<hbm>> -> memref<128xi32, #tpu.memory_space<hbm>>
        %dma_start3A_48 = tpu.memref_slice %arg3[%add3A_42] : memref<331776xi32, #tpu.memory_space<hbm>> -> memref<128xi32, #tpu.memory_space<hbm>>
        tpu.enqueue_dma source(%dma_start3A_48 : memref<128xi32, #tpu.memory_space<hbm>>) target(%arg6 : memref<128xi32, #tpu.memory_space<vmem>>) target_semaphore(%run_scoped3A : memref<!tpu.dma_semaphore, #tpu.memory_space<semaphore_mem>>)
        %dma_wait3A_49 = tpu.memref_slice %arg3[%add3A_42] : memref<331776xi32, #tpu.memory_space<hbm>> -> memref<128xi32, #tpu.memory_space<hbm>>
        %dma_wait3A_50 = tpu.memref_slice %arg3[%add3A_42] : memref<331776xi32, #tpu.memory_space<hbm>> -> memref<128xi32, #tpu.memory_space<hbm>>
        tpu.wait_dma2 semaphore(%run_scoped3A : memref<!tpu.dma_semaphore, #tpu.memory_space<semaphore_mem>>) src(%dma_wait3A_50 : memref<128xi32, #tpu.memory_space<hbm>>) dst(%arg6 : memref<128xi32, #tpu.memory_space<vmem>>)
        tpu.yield
      }) : () -> ()
      "tpu.region"() ({
        %run_scoped3A = tpu.sem_alloc : memref<!tpu.dma_semaphore, #tpu.memory_space<semaphore_mem>>
        %dma_start3A_47 = tpu.memref_slice %arg4[%add3A_42] : memref<331776xi32, #tpu.memory_space<hbm>> -> memref<128xi32, #tpu.memory_space<hbm>>
        %dma_start3A_48 = tpu.memref_slice %arg4[%add3A_42] : memref<331776xi32, #tpu.memory_space<hbm>> -> memref<128xi32, #tpu.memory_space<hbm>>
        tpu.enqueue_dma source(%dma_start3A_48 : memref<128xi32, #tpu.memory_space<hbm>>) target(%arg7 : memref<128xi32, #tpu.memory_space<vmem>>) target_semaphore(%run_scoped3A : memref<!tpu.dma_semaphore, #tpu.memory_space<semaphore_mem>>)
        %dma_wait3A_49 = tpu.memref_slice %arg4[%add3A_42] : memref<331776xi32, #tpu.memory_space<hbm>> -> memref<128xi32, #tpu.memory_space<hbm>>
        %dma_wait3A_50 = tpu.memref_slice %arg4[%add3A_42] : memref<331776xi32, #tpu.memory_space<hbm>> -> memref<128xi32, #tpu.memory_space<hbm>>
        tpu.wait_dma2 semaphore(%run_scoped3A : memref<!tpu.dma_semaphore, #tpu.memory_space<semaphore_mem>>) src(%dma_wait3A_50 : memref<128xi32, #tpu.memory_space<hbm>>) dst(%arg7 : memref<128xi32, #tpu.memory_space<vmem>>)
        tpu.yield
      }) : () -> ()
      %dma_start3A = arith.constant 0 : i32
      %dma_start3A_43 = arith.constant 0 : i32
      %dma_start3A_44 = tpu.memref_slice %arg2[%dma_start3A, %dma_start3A_43] : memref<10240x128xf32, #tpu.memory_space<hbm>> -> memref<10240x128xf32, #tpu.memory_space<hbm>>
      tpu.enqueue_indirect_dma source(%dma_start3A_44 : memref<10240x128xf32, #tpu.memory_space<hbm>>) target(%arg8 : memref<128x128xf32, #tpu.memory_space<vmem>>) offsets(%arg6 : memref<128xi32, #tpu.memory_space<vmem>>) semaphore(%arg11 : memref<!tpu.dma_semaphore, #tpu.memory_space<semaphore_mem>>)
      %dma_wait3A = arith.constant 0 : i32
      %dma_wait3A_45 = arith.constant 0 : i32
      %dma_wait3A_46 = tpu.memref_slice %arg2[%dma_wait3A, %dma_wait3A_45] : memref<10240x128xf32, #tpu.memory_space<hbm>> -> memref<10240x128xf32, #tpu.memory_space<hbm>>
      tpu.wait_indirect_dma semaphore(%arg11 : memref<!tpu.dma_semaphore, #tpu.memory_space<semaphore_mem>>) src(%dma_wait3A_46 : memref<10240x128xf32, #tpu.memory_space<hbm>>) dst(%arg8 : memref<128x128xf32, #tpu.memory_space<vmem>>)
      "tpu.region"() ({
        %run_scoped3A = tpu.sem_alloc : memref<!tpu.dma_semaphore, #tpu.memory_space<semaphore_mem>>
        %dma_start3A_47 = arith.constant 0 : i32
        %dma_start3A_48 = arith.constant 0 : i32
        %dma_start3A_49 = tpu.memref_slice %arg10[%dma_start3A_47, %dma_start3A_48] : memref<10240x128xf32, #tpu.memory_space<vmem_shared>> -> memref<10240x128xf32, #tpu.memory_space<vmem_shared>>
        tpu.enqueue_indirect_dma source(%arg8 : memref<128x128xf32, #tpu.memory_space<vmem>>) target(%dma_start3A_49 : memref<10240x128xf32, #tpu.memory_space<vmem_shared>>) offsets(%arg7 : memref<128xi32, #tpu.memory_space<vmem>>) semaphore(%run_scoped3A : memref<!tpu.dma_semaphore, #tpu.memory_space<semaphore_mem>>) {add = true}
        %dma_wait3A_50 = arith.constant 0 : i32
        %dma_wait3A_51 = arith.constant 0 : i32
        %dma_wait3A_52 = tpu.memref_slice %arg10[%dma_wait3A_50, %dma_wait3A_51] : memref<10240x128xf32, #tpu.memory_space<vmem_shared>> -> memref<10240x128xf32, #tpu.memory_space<vmem_shared>>
        tpu.wait_indirect_dma semaphore(%run_scoped3A : memref<!tpu.dma_semaphore, #tpu.memory_space<semaphore_mem>>) src(%arg8 : memref<128x128xf32, #tpu.memory_space<vmem>>) dst(%dma_wait3A_52 : memref<10240x128xf32, #tpu.memory_space<vmem_shared>>)
        tpu.yield
      }) : () -> ()
    }
    %scan3A_31 = arith.constant 81 : i32
    %barrier3A_32 = arith.constant 0 : index
    tpu.barrier barrier_id(%barrier3A_32)
    %mul3A_33 = arith.constant 640 : i32
    %mul3A_34 = arith.muli %arg1, %mul3A_33 : i32
    %mul3A_35 = arith.constant 640 : i32
    %mul3A_36 = arith.muli %arg1, %mul3A_35 : i32
    "tpu.region"() ({
      %run_scoped3A = tpu.sem_alloc : memref<!tpu.dma_semaphore, #tpu.memory_space<semaphore_mem>>
      %dma_start3A = arith.constant 0 : i32
      %dma_start3A_37 = tpu.memref_slice %arg5[%arg0, %mul3A_36, %dma_start3A] : memref<2x10240x128xf32, #tpu.memory_space<hbm>> -> memref<1x640x128xf32, #tpu.memory_space<hbm>>
      %dma_start3A_38 = tpu.memref_squeeze %dma_start3A_37 : memref<1x640x128xf32, #tpu.memory_space<hbm>> -> memref<640x128xf32, #tpu.memory_space<hbm>>
      %dma_start3A_39 = arith.constant 0 : i32
      %dma_start3A_40 = tpu.memref_slice %arg10[%mul3A_34, %dma_start3A_39] : memref<10240x128xf32, #tpu.memory_space<vmem_shared>> -> memref<640x128xf32, #tpu.memory_space<vmem_shared>>
      tpu.enqueue_dma source(%dma_start3A_40 : memref<640x128xf32, #tpu.memory_space<vmem_shared>>) target(%dma_start3A_38 : memref<640x128xf32, #tpu.memory_space<hbm>>) target_semaphore(%run_scoped3A : memref<!tpu.dma_semaphore, #tpu.memory_space<semaphore_mem>>)
      %dma_wait3A = arith.constant 0 : i32
      %dma_wait3A_41 = tpu.memref_slice %arg5[%arg0, %mul3A_36, %dma_wait3A] : memref<2x10240x128xf32, #tpu.memory_space<hbm>> -> memref<1x640x128xf32, #tpu.memory_space<hbm>>
      %dma_wait3A_42 = tpu.memref_squeeze %dma_wait3A_41 : memref<1x640x128xf32, #tpu.memory_space<hbm>> -> memref<640x128xf32, #tpu.memory_space<hbm>>
      %dma_wait3A_43 = arith.constant 0 : i32
      %dma_wait3A_44 = tpu.memref_slice %arg10[%mul3A_34, %dma_wait3A_43] : memref<10240x128xf32, #tpu.memory_space<vmem_shared>> -> memref<640x128xf32, #tpu.memory_space<vmem_shared>>
      tpu.wait_dma2 semaphore(%run_scoped3A : memref<!tpu.dma_semaphore, #tpu.memory_space<semaphore_mem>>) src(%dma_wait3A_44 : memref<640x128xf32, #tpu.memory_space<vmem_shared>>) dst(%dma_wait3A_42 : memref<640x128xf32, #tpu.memory_space<hbm>>)
      tpu.yield
    }) : () -> ()
    return
  }
}

module attributes {stable_mosaic.version = 14 : i64} {
  func.func @body(%arg0: i32, %arg1: memref<1280x4xf32, #tpu.memory_space<vmem>>, %arg2: memref<1280x128xf32, #tpu.memory_space<vmem>>, %arg3: memref<1280x128xf32, #tpu.memory_space<vmem>>, %arg4: memref<1280x1xf32, #tpu.memory_space<vmem>>, %arg5: memref<1280x1xf32, #tpu.memory_space<vmem>>) attributes {dimension_semantics = [#tpu.dimension_semantics<arbitrary>], iteration_bounds = array<i64: 8>, scalar_prefetch = 0 : i64, scratch_operands = 0 : i64, tpu.core_type = #tpu.core_type<tc>, window_params = [{transform_indices = @transform_0, window_bounds = array<i64: 1280, 4>}, {transform_indices = @transform_1, window_bounds = array<i64: 1280, 128>}, {transform_indices = @transform_2, window_bounds = array<i64: 1280, 128>}, {transform_indices = @transform_3, window_bounds = array<i64: 1280, 1>}, {transform_indices = @transform_4, window_bounds = array<i64: 1280, 1>}]} {
    %get3A = arith.constant 0 : index
    %get3A_0 = arith.constant 0 : index
    %get3A_1 = vector.load %arg1[%get3A, %get3A_0] : memref<1280x4xf32, #tpu.memory_space<vmem>>, vector<1280x4xf32>
    %slice3A = vector.extract_strided_slice %get3A_1 {offsets = [0, 0], sizes = [1280, 1], strides = [1, 1]} : vector<1280x4xf32> to vector<1280x1xf32>
    %slice3A_2 = vector.extract_strided_slice %get3A_1 {offsets = [0, 2], sizes = [1280, 1], strides = [1, 1]} : vector<1280x4xf32> to vector<1280x1xf32>
    %add3A = arith.addf %slice3A, %slice3A_2 : vector<1280x1xf32>
    %slice3A_3 = vector.extract_strided_slice %get3A_1 {offsets = [0, 1], sizes = [1280, 1], strides = [1, 1]} : vector<1280x4xf32> to vector<1280x1xf32>
    %slice3A_4 = vector.extract_strided_slice %get3A_1 {offsets = [0, 3], sizes = [1280, 1], strides = [1, 1]} : vector<1280x4xf32> to vector<1280x1xf32>
    %add3A_5 = arith.addf %slice3A_3, %slice3A_4 : vector<1280x1xf32>
    %max3A = arith.constant 1.000000e+00 : f32
    %max3A_6 = vector.broadcast %max3A : f32 to vector<1280x1xf32>
    %max3A_7 = arith.maximumf %add3A, %max3A_6 : vector<1280x1xf32>
    %rsqrt3A = math.rsqrt %max3A_7 : vector<1280x1xf32>
    %max3A_8 = arith.constant 1.000000e+00 : f32
    %max3A_9 = vector.broadcast %max3A_8 : f32 to vector<1280x1xf32>
    %max3A_10 = arith.maximumf %add3A_5, %max3A_9 : vector<1280x1xf32>
    %rsqrt3A_11 = math.rsqrt %max3A_10 : vector<1280x1xf32>
    %swap3A = arith.constant 0 : index
    %swap3A_12 = arith.constant 0 : index
    %swap3A_13 = vector.load %arg4[%swap3A, %swap3A_12] : memref<1280x1xf32, #tpu.memory_space<vmem>>, vector<1280x1xf32>
    tpu.vector_store %arg4[%swap3A, %swap3A_12], %rsqrt3A {strides = array<i32>} : memref<1280x1xf32, #tpu.memory_space<vmem>>, vector<1280x1xf32>,
    %swap3A_14 = arith.constant 0 : index
    %swap3A_15 = arith.constant 0 : index
    %swap3A_16 = vector.load %arg5[%swap3A_14, %swap3A_15] : memref<1280x1xf32, #tpu.memory_space<vmem>>, vector<1280x1xf32>
    tpu.vector_store %arg5[%swap3A_14, %swap3A_15], %rsqrt3A_11 {strides = array<i32>} : memref<1280x1xf32, #tpu.memory_space<vmem>>, vector<1280x1xf32>,
    %get3A_17 = arith.constant 0 : index
    %get3A_18 = arith.constant 0 : index
    %get3A_19 = vector.load %arg2[%get3A_17, %get3A_18] : memref<1280x128xf32, #tpu.memory_space<vmem>>, vector<1280x128xf32>
    %mul3A = vector.broadcast %rsqrt3A : vector<1280x1xf32> to vector<1280x128xf32>
    %mul3A_20 = arith.mulf %get3A_19, %mul3A : vector<1280x128xf32>
    %swap3A_21 = arith.constant 0 : index
    %swap3A_22 = arith.constant 0 : index
    %swap3A_23 = vector.load %arg3[%swap3A_21, %swap3A_22] : memref<1280x128xf32, #tpu.memory_space<vmem>>, vector<1280x128xf32>
    tpu.vector_store %arg3[%swap3A_21, %swap3A_22], %mul3A_20 {strides = array<i32>} : memref<1280x128xf32, #tpu.memory_space<vmem>>, vector<1280x128xf32>,
    return
  }
  func.func @transform_0(%arg0: i32) -> (i32, i32) {
    %c0_i32 = arith.constant 0 : i32
    %c0_i32_0 = arith.constant 0 : i32
    return %arg0, %c0_i32 : i32, i32
  }
  func.func @transform_1(%arg0: i32) -> (i32, i32) {
    %c0_i32 = arith.constant 0 : i32
    %c0_i32_0 = arith.constant 0 : i32
    return %arg0, %c0_i32 : i32, i32
  }
  func.func @transform_2(%arg0: i32) -> (i32, i32) {
    %c0_i32 = arith.constant 0 : i32
    %c0_i32_0 = arith.constant 0 : i32
    return %arg0, %c0_i32 : i32, i32
  }
  func.func @transform_3(%arg0: i32) -> (i32, i32) {
    %c0_i32 = arith.constant 0 : i32
    %c0_i32_0 = arith.constant 0 : i32
    return %arg0, %c0_i32 : i32, i32
  }
  func.func @transform_4(%arg0: i32) -> (i32, i32) {
    %c0_i32 = arith.constant 0 : i32
    %c0_i32_0 = arith.constant 0 : i32
    return %arg0, %c0_i32 : i32, i32
  }
}

module attributes {stable_mosaic.version = 14 : i64} {
  func.func @body(%arg0: i32, %arg1: memref<2x1280x128xf32, #tpu.memory_space<vmem>>, %arg2: memref<1280x1xf32, #tpu.memory_space<vmem>>, %arg3: memref<1280x1xf32, #tpu.memory_space<vmem>>, %arg4: memref<128x128xf32, #tpu.memory_space<vmem>>, %arg5: memref<1x128xf32, #tpu.memory_space<vmem>>, %arg6: memref<1280x128xf32, #tpu.memory_space<vmem>>) attributes {dimension_semantics = [#tpu.dimension_semantics<arbitrary>], iteration_bounds = array<i64: 8>, scalar_prefetch = 0 : i64, scratch_operands = 0 : i64, tpu.core_type = #tpu.core_type<tc>, window_params = [{transform_indices = @transform_0, window_bounds = array<i64: 2, 1280, 128>}, {transform_indices = @transform_1, window_bounds = array<i64: 1280, 1>}, {transform_indices = @transform_2, window_bounds = array<i64: 1280, 1>}, {pipeline_mode = #tpu.pipeline_mode<synchronous>, transform_indices = @transform_3, window_bounds = array<i64: 128, 128>}, {pipeline_mode = #tpu.pipeline_mode<synchronous>, transform_indices = @transform_4, window_bounds = array<i64: 1, 128>}, {transform_indices = @transform_5, window_bounds = array<i64: 1280, 128>}]} {
    %get3A = arith.constant 0 : index
    %get3A_0 = arith.constant 0 : index
    %get3A_1 = arith.constant 0 : index
    %get3A_2 = vector.load %arg1[%get3A, %get3A_0, %get3A_1] : memref<2x1280x128xf32, #tpu.memory_space<vmem>>, vector<1x1280x128xf32>
    %get3A_3 = vector.shape_cast %get3A_2 : vector<1x1280x128xf32> to vector<1280x128xf32>
    %get3A_4 = arith.constant 1 : index
    %get3A_5 = arith.constant 0 : index
    %get3A_6 = arith.constant 0 : index
    %get3A_7 = vector.load %arg1[%get3A_4, %get3A_5, %get3A_6] : memref<2x1280x128xf32, #tpu.memory_space<vmem>>, vector<1x1280x128xf32>
    %get3A_8 = vector.shape_cast %get3A_7 : vector<1x1280x128xf32> to vector<1280x128xf32>
    %add3A = arith.addf %get3A_3, %get3A_8 : vector<1280x128xf32>
    %get3A_9 = arith.constant 0 : index
    %get3A_10 = arith.constant 0 : index
    %get3A_11 = vector.load %arg4[%get3A_9, %get3A_10] : memref<128x128xf32, #tpu.memory_space<vmem>>, vector<128x128xf32>
    %dot_general3A = arith.constant dense<0.000000e+00> : vector<1280x128xf32>
    %dot_general3A_12 = tpu.matmul %add3A, %get3A_11, %dot_general3A {dimension_numbers = #tpu.dot_dimension_numbers<[1], [0], [0], [1], [0, 0, 1, 1], [], []>, transpose_lhs_hint = false} : vector<1280x128xf32>, vector<128x128xf32>, vector<1280x128xf32> -> vector<1280x128xf32>
    %get3A_13 = arith.constant 0 : index
    %get3A_14 = arith.constant 0 : index
    %get3A_15 = vector.load %arg2[%get3A_13, %get3A_14] : memref<1280x1xf32, #tpu.memory_space<vmem>>, vector<1280x1xf32>
    %mul3A = vector.broadcast %get3A_15 : vector<1280x1xf32> to vector<1280x128xf32>
    %mul3A_16 = arith.mulf %dot_general3A_12, %mul3A : vector<1280x128xf32>
    %get3A_17 = arith.constant 0 : index
    %get3A_18 = arith.constant 0 : index
    %get3A_19 = vector.load %arg5[%get3A_17, %get3A_18] : memref<1x128xf32, #tpu.memory_space<vmem>>, vector<1x128xf32>
    %add3A_20 = vector.broadcast %get3A_19 : vector<1x128xf32> to vector<1280x128xf32>
    %add3A_21 = arith.addf %mul3A_16, %add3A_20 : vector<1280x128xf32>
    %swap3A = arith.constant 0 : index
    %swap3A_22 = arith.constant 0 : index
    %swap3A_23 = vector.load %arg6[%swap3A, %swap3A_22] : memref<1280x128xf32, #tpu.memory_space<vmem>>, vector<1280x128xf32>
    tpu.vector_store %arg6[%swap3A, %swap3A_22], %add3A_21 {strides = array<i32>} : memref<1280x128xf32, #tpu.memory_space<vmem>>, vector<1280x128xf32>,
    return
  }
  func.func @transform_0(%arg0: i32) -> (i32, i32, i32) {
    %c0_i32 = arith.constant 0 : i32
    %c0_i32_0 = arith.constant 0 : i32
    %c0_i32_1 = arith.constant 0 : i32
    return %c0_i32, %arg0, %c0_i32_0 : i32, i32, i32
  }
  func.func @transform_1(%arg0: i32) -> (i32, i32) {
    %c0_i32 = arith.constant 0 : i32
    %c0_i32_0 = arith.constant 0 : i32
    return %arg0, %c0_i32 : i32, i32
  }
  func.func @transform_2(%arg0: i32) -> (i32, i32) {
    %c0_i32 = arith.constant 0 : i32
    %c0_i32_0 = arith.constant 0 : i32
    return %arg0, %c0_i32 : i32, i32
  }
  func.func @transform_3(%arg0: i32) -> (i32, i32) {
    %c0_i32 = arith.constant 0 : i32
    %c0_i32_0 = arith.constant 0 : i32
    %c0_i32_1 = arith.constant 0 : i32
    return %c0_i32, %c0_i32_0 : i32, i32
  }
  func.func @transform_4(%arg0: i32) -> (i32, i32) {
    %c0_i32 = arith.constant 0 : i32
    %c0_i32_0 = arith.constant 0 : i32
    %c0_i32_1 = arith.constant 0 : i32
    return %c0_i32, %c0_i32_0 : i32, i32
  }
  func.func @transform_5(%arg0: i32) -> (i32, i32) {
    %c0_i32 = arith.constant 0 : i32
    %c0_i32_0 = arith.constant 0 : i32
    return %arg0, %c0_i32 : i32, i32
  }
}

module attributes {stable_mosaic.version = 14 : i64} {
  func.func @body(%arg0: i32, %arg1: memref<2x1280x128xf32, #tpu.memory_space<vmem>>, %arg2: memref<1280x1xf32, #tpu.memory_space<vmem>>, %arg3: memref<1280x1xf32, #tpu.memory_space<vmem>>, %arg4: memref<128x128xf32, #tpu.memory_space<vmem>>, %arg5: memref<1x128xf32, #tpu.memory_space<vmem>>, %arg6: memref<1280x128xf32, #tpu.memory_space<vmem>>) attributes {dimension_semantics = [#tpu.dimension_semantics<arbitrary>], iteration_bounds = array<i64: 8>, scalar_prefetch = 0 : i64, scratch_operands = 0 : i64, tpu.core_type = #tpu.core_type<tc>, window_params = [{transform_indices = @transform_0, window_bounds = array<i64: 2, 1280, 128>}, {transform_indices = @transform_1, window_bounds = array<i64: 1280, 1>}, {transform_indices = @transform_2, window_bounds = array<i64: 1280, 1>}, {pipeline_mode = #tpu.pipeline_mode<synchronous>, transform_indices = @transform_3, window_bounds = array<i64: 128, 128>}, {pipeline_mode = #tpu.pipeline_mode<synchronous>, transform_indices = @transform_4, window_bounds = array<i64: 1, 128>}, {transform_indices = @transform_5, window_bounds = array<i64: 1280, 128>}]} {
    %get3A = arith.constant 0 : index
    %get3A_0 = arith.constant 0 : index
    %get3A_1 = arith.constant 0 : index
    %get3A_2 = vector.load %arg1[%get3A, %get3A_0, %get3A_1] : memref<2x1280x128xf32, #tpu.memory_space<vmem>>, vector<1x1280x128xf32>
    %get3A_3 = vector.shape_cast %get3A_2 : vector<1x1280x128xf32> to vector<1280x128xf32>
    %get3A_4 = arith.constant 1 : index
    %get3A_5 = arith.constant 0 : index
    %get3A_6 = arith.constant 0 : index
    %get3A_7 = vector.load %arg1[%get3A_4, %get3A_5, %get3A_6] : memref<2x1280x128xf32, #tpu.memory_space<vmem>>, vector<1x1280x128xf32>
    %get3A_8 = vector.shape_cast %get3A_7 : vector<1x1280x128xf32> to vector<1280x128xf32>
    %add3A = arith.addf %get3A_3, %get3A_8 : vector<1280x128xf32>
    %get3A_9 = arith.constant 0 : index
    %get3A_10 = arith.constant 0 : index
    %get3A_11 = vector.load %arg4[%get3A_9, %get3A_10] : memref<128x128xf32, #tpu.memory_space<vmem>>, vector<128x128xf32>
    %dot_general3A = arith.constant dense<0.000000e+00> : vector<1280x128xf32>
    %dot_general3A_12 = tpu.matmul %add3A, %get3A_11, %dot_general3A {dimension_numbers = #tpu.dot_dimension_numbers<[1], [0], [0], [1], [0, 0, 1, 1], [], []>, transpose_lhs_hint = false} : vector<1280x128xf32>, vector<128x128xf32>, vector<1280x128xf32> -> vector<1280x128xf32>
    %get3A_13 = arith.constant 0 : index
    %get3A_14 = arith.constant 0 : index
    %get3A_15 = vector.load %arg2[%get3A_13, %get3A_14] : memref<1280x1xf32, #tpu.memory_space<vmem>>, vector<1280x1xf32>
    %mul3A = vector.broadcast %get3A_15 : vector<1280x1xf32> to vector<1280x128xf32>
    %mul3A_16 = arith.mulf %dot_general3A_12, %mul3A : vector<1280x128xf32>
    %get3A_17 = arith.constant 0 : index
    %get3A_18 = arith.constant 0 : index
    %get3A_19 = vector.load %arg5[%get3A_17, %get3A_18] : memref<1x128xf32, #tpu.memory_space<vmem>>, vector<1x128xf32>
    %add3A_20 = vector.broadcast %get3A_19 : vector<1x128xf32> to vector<1280x128xf32>
    %add3A_21 = arith.addf %mul3A_16, %add3A_20 : vector<1280x128xf32>
    %max3A = arith.constant 0.000000e+00 : f32
    %max3A_22 = vector.broadcast %max3A : f32 to vector<1280x128xf32>
    %max3A_23 = arith.maximumf %add3A_21, %max3A_22 : vector<1280x128xf32>
    %get3A_24 = arith.constant 0 : index
    %get3A_25 = arith.constant 0 : index
    %get3A_26 = vector.load %arg3[%get3A_24, %get3A_25] : memref<1280x1xf32, #tpu.memory_space<vmem>>, vector<1280x1xf32>
    %mul3A_27 = vector.broadcast %get3A_26 : vector<1280x1xf32> to vector<1280x128xf32>
    %mul3A_28 = arith.mulf %max3A_23, %mul3A_27 : vector<1280x128xf32>
    %swap3A = arith.constant 0 : index
    %swap3A_29 = arith.constant 0 : index
    %swap3A_30 = vector.load %arg6[%swap3A, %swap3A_29] : memref<1280x128xf32, #tpu.memory_space<vmem>>, vector<1280x128xf32>
    tpu.vector_store %arg6[%swap3A, %swap3A_29], %mul3A_28 {strides = array<i32>} : memref<1280x128xf32, #tpu.memory_space<vmem>>, vector<1280x128xf32>,
    return
  }
  func.func @transform_0(%arg0: i32) -> (i32, i32, i32) {
    %c0_i32 = arith.constant 0 : i32
    %c0_i32_0 = arith.constant 0 : i32
    %c0_i32_1 = arith.constant 0 : i32
    return %c0_i32, %arg0, %c0_i32_0 : i32, i32, i32
  }
  func.func @transform_1(%arg0: i32) -> (i32, i32) {
    %c0_i32 = arith.constant 0 : i32
    %c0_i32_0 = arith.constant 0 : i32
    return %arg0, %c0_i32 : i32, i32
  }
  func.func @transform_2(%arg0: i32) -> (i32, i32) {
    %c0_i32 = arith.constant 0 : i32
    %c0_i32_0 = arith.constant 0 : i32
    return %arg0, %c0_i32 : i32, i32
  }
  func.func @transform_3(%arg0: i32) -> (i32, i32) {
    %c0_i32 = arith.constant 0 : i32
    %c0_i32_0 = arith.constant 0 : i32
    %c0_i32_1 = arith.constant 0 : i32
    return %c0_i32, %c0_i32_0 : i32, i32
  }
  func.func @transform_4(%arg0: i32) -> (i32, i32) {
    %c0_i32 = arith.constant 0 : i32
    %c0_i32_0 = arith.constant 0 : i32
    %c0_i32_1 = arith.constant 0 : i32
    return %c0_i32, %c0_i32_0 : i32, i32
  }
  func.func @transform_5(%arg0: i32) -> (i32, i32) {
    %c0_i32 = arith.constant 0 : i32
    %c0_i32_0 = arith.constant 0 : i32
    return %arg0, %c0_i32 : i32, i32
  }
}

</mosaic_0001>

<sc_bundles>
// kernel: kernel.10.cloned.1.call-start
scs
__scs_entry_jumppad:
0x0: {  	(pc) =	sbr.rel $0x88, $3  }
0x1: {  	(tag) =	ssettag $0x0;
	lr =	simm.s32 $0x1  }
0x2: {  	[smem:$0x3F99] =	sst lr;
	_ =	strace $0xD0000000  }
0x3: {  	_ = 	snop  }
0x4: {  	_ = 	snop  }
0x5: {  	_ = 	snop  }
0x6: {  	_ = 	snop  }
0x7: {  	_ = 	snop  }
__scs_overlays_trampoline_lowered:
0x8: {  	[smem:$0x3FA8] =	sst s0  }
0x9: {  	[smem:$0x3FA9] =	sst s1  }
0xa: {  	[smem:$0x3FAA] =	sst s2  }
0xb: {  	[smem:$0x3FAB] =	sst s3  }
0xc: {  	[smem:$0x3FAC] =	sst s4  }
0xd: {  	[smem:$0x3FAD] =	sst s5  }
0xe: {  	[smem:$0x3FAE] =	sst s6  }
0xf: {  	[smem:$0x3FAF] =	sst s7  }
0x10: {  	[smem:$0x3FB0] =	sst s8  }
0x11: {  	[smem:$0x3FB1] =	sst s9;
	s0 =	simm.s32 @!p0 $0x0  }
0x12: {  	s1 =	sld [smem:$0x3F97];
	s0 =	simm.s32 @p0 $0x1  }
0x13: {  	[smem:$0x3FB2] =	sst s0;
	s0 =	simm.s32 @!p1 $0x0  }
0x14: {  	s2 =	sld [smem:$0x3F96];
	s0 =	simm.s32 @p1 $0x1  }
0x15: {  	[smem:$0x3FB3] =	sst s0;
	s0 =	simm.s32 @!p2 $0x0  }
0x16: {  	s3 =	sld [smem:$0x3FDB];
	s0 =	simm.s32 @p2 $0x1  }
0x17: {  	s4 =	simm.s32 $0x1BF5;
	[smem:$0x3FB5] =	sst s0  }
0x18: {  	s0 =	sld [smem:$0x3F98];
	_ =	swait.ge [sflag:s4], $0x0  }
0x19: {  	s7 =	sld [smem:$0x3F99]  }
0x1a: {  	s8 =	sadd.s32 $0xFFFFE003, lr  }
0x1b: {  	s9 =	sadd.s32 $0xFFFFFEF7, lr;
	s5 =	simm.s32 $0xFFFFFFFF;
	p2 =	slt.u32 s8, $0xFFFFF086  }
0x1c: {  	p1 =	slt.u32 s9, $0xF7A;
	s5 =	simm.s32 @!p2 $0x0  }
0x1d: {  	s5 =	simm.s32 @p1 $0x1;
	p0 =	seq.s32 s7, s2  }
0x1e: {  	s7 =	smul.u32 @!p0 $0xF7A, s2;
	p2 =	seq.s32 @!p0 s5, $0x0  }
0x1f: {  	s9 =	smul.u32 $0xF7A, s1;
	s8 =	simm.s32 @!p0 $0x1BF5;
	p2 =	por !p2, p0  }
0x20: {  	[sflag:s8] =	ssyncset.s32 @!p0 $0xFFFFF086;
	s6 =	sadd.s32 @!p0 s3, s7;
	s7 =	simm.s32 @!p0 $0x108  }
0x21: {  	s3 =	sadd.s32 s3, s9;
	s6 =	sadd.s32 @!p0 $0x88, s6;
	s7 =	simm.s32 @p2 $0x1082  }
0x22: {  	[simem:s7], [sflag:s8] =	dma.local @!p0 [hbm:s6], $0xF7A  }
0x23: {  	s9 =	sor.u32 $0xD0000000, s2;
	s6 =	simm.s32 $0x108;
	_ =	swait.ge @!p0 [sflag:s8], $0x0  }
0x24: {  	s3 =	sadd.s32 $0x88, s3;
	s6 =	simm.s32 @!p1 $0x1082;
	[sflag:s4] =	ssyncset.s32 $0xFFFFF086  }
0x25: {  	[simem:s6], [sflag:s4] =	dma.local [hbm:s3], $0xF7A  }
0x26: {  	[smem:$0x3F99] =	sst s1;
	(tag) =	ssettag s2;
	_ =	strace s9  }
0x27: {  	s1 =	sld [smem:$0x3FA9]  }
0x28: {  	s2 =	sld [smem:$0x3FAA]  }
0x29: {  	s4 =	sld [smem:$0x3FAC]  }
0x2a: {  	p0 =	seq.s32 s5, $0x0;
	s5 =	sld [smem:$0x3FAD]  }
0x2b: {  	s6 =	sld [smem:$0x3FAE]  }
0x2c: {  	s7 =	sld [smem:$0x3FAF]  }
0x2d: {  	s3 =	simm.s32 $0x108;
	s8 =	sld [smem:$0x3FB0]  }
0x2e: {  	s3 =	simm.s32 @!p0 $0x1082;
	s9 =	sld [smem:$0x3FB1]  }
0x2f: {  	lr =	sadd.s32 s0, s3;
	s0 =	sld [smem:$0x3FA8]  }
0x30: {  	s3 =	sld [smem:$0x3FAB]  }
0x31: {  	[smem:$0x3FB4] =	sst s10  }
0x32: {  	s10 =	sld [smem:$0x3FB2];
	_ =	sdelay $0x3  }
0x33: {  	p0 =	seq.s32 s10, $0x1;
	s10 =	sld [smem:$0x3FB4];
	_ =	sdelay $0x3  }
0x34: {  	[smem:$0x3FB4] =	sst s10  }
0x35: {  	s10 =	sld [smem:$0x3FB3];
	_ =	sdelay $0x3  }
0x36: {  	p1 =	seq.s32 s10, $0x1;
	s10 =	sld [smem:$0x3FB4];
	_ =	sdelay $0x3  }
0x37: {  	[smem:$0x3FB4] =	sst s10  }
0x38: {  	s10 =	sld [smem:$0x3FB5]  }
0x39: {  	_ = 	snop;
	(pc) =	sbr.ind lr, $3  }
0x3a: {  	_ = 	snop  }
0x3b: {  	_ = 	snop  }
0x3c: {  	p2 =	seq.s32 s10, $0x1;
	s10 =	sld [smem:$0x3FB4]  }
0x3d: {  	_ =	shalt  }
0x3e: {  	_ =	shalt  }
0x3f: {  	_ =	shalt  }
0x40: {  	_ =	shalt  }
0x41: {  	_ =	shalt  }
0x42: {  	_ =	shalt  }
0x43: {  	_ =	shalt  }
0x44: {  	_ =	shalt  }
0x45: {  	_ =	shalt  }
0x46: {  	_ =	shalt  }
0x47: {  	_ =	shalt  }
0x48: {  	_ =	shalt  }
0x49: {  	_ =	shalt  }
0x4a: {  	_ =	shalt  }
0x4b: {  	_ =	shalt  }
0x4c: {  	_ =	shalt  }
0x4d: {  	_ =	shalt  }
0x4e: {  	_ =	shalt  }
0x4f: {  	_ =	shalt  }
0x50: {  	_ =	shalt  }
0x51: {  	_ =	shalt  }
0x52: {  	_ =	shalt  }
0x53: {  	_ =	shalt  }
0x54: {  	_ =	shalt  }
0x55: {  	_ =	shalt  }
0x56: {  	_ =	shalt  }
0x57: {  	_ =	shalt  }
0x58: {  	_ =	shalt  }
0x59: {  	_ =	shalt  }
0x5a: {  	_ =	shalt  }
0x5b: {  	_ =	shalt  }
0x5c: {  	_ =	shalt  }
0x5d: {  	_ =	shalt  }
0x5e: {  	_ =	shalt  }
0x5f: {  	_ =	shalt  }
0x60: {  	_ =	shalt  }
0x61: {  	_ =	shalt  }
0x62: {  	_ =	shalt  }
0x63: {  	_ =	shalt  }
0x64: {  	_ =	shalt  }
0x65: {  	_ =	shalt  }
0x66: {  	_ =	shalt  }
0x67: {  	_ =	shalt  }
0x68: {  	_ =	shalt  }
0x69: {  	_ =	shalt  }
0x6a: {  	_ =	shalt  }
0x6b: {  	_ =	shalt  }
0x6c: {  	_ =	shalt  }
0x6d: {  	_ =	shalt  }
0x6e: {  	_ =	shalt  }
0x6f: {  	_ =	shalt  }
0x70: {  	_ =	shalt  }
0x71: {  	_ =	shalt  }
0x72: {  	_ =	shalt  }
0x73: {  	_ =	shalt  }
0x74: {  	_ =	shalt  }
0x75: {  	_ =	shalt  }
0x76: {  	_ =	shalt  }
0x77: {  	_ =	shalt  }
0x78: {  	_ =	shalt  }
0x79: {  	_ =	shalt  }
0x7a: {  	_ =	shalt  }
0x7b: {  	_ =	shalt  }
0x7c: {  	_ =	shalt  }
0x7d: {  	_ =	shalt  }
0x7e: {  	_ =	shalt  }
0x7f: {  	_ =	shalt  }
0x80: {  	_ =	shalt  }
0x81: {  	_ =	shalt  }
0x82: {  	_ =	shalt  }
0x83: {  	_ =	shalt  }
0x84: {  	_ =	shalt  }
0x85: {  	_ =	shalt  }
0x86: {  	_ =	shalt  }
0x87: {  	_ =	shalt  }
.Lfunc_end0:
.L_simem_size_0:
called_computation_lowered:
.L_overlay_start_0:
0x88: {  	s2 =	sld [smem:$0x3FD9]  }
0x89: {  	s3 =	sld [smem:$0x3FFE];
	_ =	sdelay $0x1  }
0x8a: {  	s1 =	srdreg.scid  }
0x8b: {  	s0 =	sand.u32 $0x1, s1  }
0x8c: {  	s17 =	sshll.u32 s0, $0xA;
	s2 =	sadd.s32 s3, s2  }
0x8d: {  	s2 =	sadd.s32 s2, s17  }
0x8e: {  	[smem:$0x3FC0] =	sst s2  }
0x8f: {  	_ = 	snop  }
0x90: {  	s2 =	sld [smem:$0x3FD0];
	(tm) =	ssettm $0x1  }
0x91: {  	s18 =	sld [smem:$0x3FFB];
	_ =	sdelay $0x3  }
0x92: {  	_ =	strace s18  }
0x93: {  	s3 =	sld [smem:$0x3FFC];
	_ =	sdelay $0x3  }
0x94: {  	_ =	strace s3  }
0x95: {  	s3 =	sld [smem:$0x3FFD];
	_ =	sdelay $0x3  }
0x96: {  	_ =	strace s3  }
0x97: {  	_ =	strace $0x8FFFFFFF  }
0x98: {  	s19 =	sld [smem:$0x3FDB];
	_ =	sdelay $0x1  }
0x99: {  	s4 =	simm.s32 $_scs_section_size  }
0x9a: {  	s5 =	simm.s32 $_size__tile_overlayer_lowered;
	s6 =	simm.s32 $_tile_overlayer_lowered  }
0x9b: {  	s22 =	simm.s32 $0x1BFF;
	s21 =	sshll.u32 s6, $0x1;
	s3 =	sadd.s32 s4, s19  }
0x9c: {  	s7 =	simm.s32 $0x0;
	s20 =	sshll.u32 s5, $0x1;
	s5 =	sadd.s32 s21, s3  }
0x9d: {  	[timem:s7], [sflag:s22] =	dma.local [hbm:s5], s20  }
0x9e: {  	_ =	swait.ge [sflag:s22], s20  }
0x9f: {  	s4 =	ssub.s32 $0x0, s20;
	[sflag:s22] =	ssyncset.done $0x0  }
0xa0: {  	[sflag:s22] =	ssyncadd.s32 s4;
	_ =	sdelay $0x1  }
0xa1: {  	s23 =	simm.s32 $0x1B8B  }
0xa2: {  	_ =	swait.ge [sflag:s23], $0x1  }
0xa3: {  	[sflag:s23] =	ssyncset.done $0x0  }
0xa4: {  	s25 =	simm.s32 $0x1B8E;
	s24 =	sld [smem:$0x3FFE];
	[sflag:s23] =	ssyncadd.s32 $0xFFFFFFFF  }
0xa5: {  	s26 =	simm.s32 $execute0_lowered;
	[smem:$0x3FD2] =	sst s25  }
0xa6: {  	s5 =	sshll.u32 s26, $0x1;
	_ =	strace $0x80000046;
	[dreg:$0x1] =	wrdreg $0xFFFFFFFF  }
0xa7: {  	s28 =	simm.s32 $_size_execute0_lowered;
	s3 =	sadd.s32 s3, s5;
	[dreg:$0x0] =	wrdreg $0x0  }
0xa8: {  	s5 =	sshll.u32 s28, $0x1;
	[dreg:$0x2] =	wrdreg s3  }
0xa9: {  	[dreg:$0x3] =	wrdreg s5  }
0xaa: {  	[dreg:$0x4] =	wrdreg $0xC0  }
0xab: {  	_ =	task [dreg:s7], $0x5FFFF  }
0xac: {  	[dreg:$0x1] =	wrdreg $0xFFFFFFFF  }
0xad: {  	[dreg:$0x0] =	wrdreg $0x60  }
0xae: {  	[dreg:$0x2] =	wrdreg s2  }
0xaf: {  	[dreg:$0x3] =	wrdreg s24  }
0xb0: {  	[dreg:$0x4] =	wrdreg $0x4000  }
0xb1: {  	[dreg:$0x5] =	wrdreg $0x6800  }
0xb2: {  	[dreg:$0x6] =	wrdreg $0x9  }
0xb3: {  	_ =	task.clear_ibuf [dreg:s7], $0x7FFFF;
	_ =	strace $0x90000046  }
0xb4: {  	s29 =	simm.s32 $0x9;
	_ =	strace $0x80000048  }
0xb5: {  	_ =	swait.ge [sflag:s29], $0x1  }
0xb6: {  	[sflag:s29] =	ssyncadd.s32 $0xFFFFFFFF  }
0xb7: {  	_ =	strace $0x90000048  }
0xb8: {  	_ =	sfence  }
0xb9: {  	s30 =	sld [smem:$0x0];
	_ =	sdelay $0x2  }
0xba: {  	s31 =	sshll.u32 s1, $0xD;
	s1 =	sshrl.u32 s1, $0x2  }
0xbb: {  	s3 =	sand.u32 $0x4000, s31;
	s1 =	sadd.s32 s1, s30  }
0xbc: {  	s0 =	sor.u32 s3, s0;
	s1 =	sshll.u32 s1, $0x11  }
0xbd: {  	s0 =	sor.u32 s1, s0  }
0xbe: {  	s0 =	sadd.s32 $0x8F2B, s0  }
0xbf: {  	[sflag:s0] =	ssyncadd.remote.s32 $0x1  }
0xc0: {  	_ =	sfence.sel $0xFFFF  }
0xc1: {  	[dreg:$0x0] =	wrdreg $0xFFFFFFFF;
	(pc) =	sbr.abs _section_cstart, $3  }
0xc2: {  	[dreg:$0x1] =	wrdreg $0xFFFFFFFF  }
0xc3: {  	_ =	task.clear_ibuf [dreg:s7], $0x2FFFF;
	_ =	strace $0x9FFFFFFF  }
0xc4: {  	(tm) =	ssettm $0x7FFFFFFF  }
0xc5: {  	_ =	shalt  }
tec
execute0_lowered:
.L_overlay_start_1:
0x0: {  	(tag) =	ssettag $0x1  }
0x1: {  	s9 =	rddreg [dreg:$0x0]  }
0x2: {  	s5 =	rddreg [dreg:$0x1]  }
0x3: {  	s2 =	rddreg [dreg:$0x2];
	s1 =	srdreg.scid  }
0x4: {  	s0 =	stileid.u32;
	s3 =	rddreg [dreg:$0x3];
	s4 =	simm.s32 $0x0  }
0x5: {  	s15 =	simm.s32 $0x100;
	s19 =	simm.s32 $0x0;
	s7 =	smul.u32 $0x280, s0  }
0x6: {  	s6 =	sand.u32 $0x1, s1;
	s1 =	rddreg [dreg:$0x4];
	s13 =	smul.u32 $0x510, s0  }
0x7: {  	[smem:$0x7FF] =	sst s4;
	s16 =	sshll.u32 s0, $0x6;
	s8 =	smul.u32 $0x2800, s6  }
0x8: {  	s10 =	smul.u32 $0x5100, s6;
	_ =	strace $0x80000047;
	s6 =	ssub.s32 $0x2, s6  }
0x9: {  	s16 =	sor.u32 $0x1C01, s16;
	s12 =	sshrl.u32 s6, $0x1;
	s8 =	sadd.s32 s7, s8  }
0xa: {  	s11 =	sadd.s32 s10, s5;
	s12 =	ssub.s32 s6, s12;
	s6 =	sadd.s32 s7, s3  }
0xb: {  	s14 =	sadd.s32 s10, s9;
	s8 =	sshrl.u32 s8, $0x3;
	s11 =	sadd.s32 s13, s11  }
0xc: {  	s9 =	smax.u32 s12, $0x1;
	s12 =	simm.s32 $0x180;
	s18 =	sshrl.u32 s6, $0x3  }
0xd: {  	s8 =	sadd.s32 s8, s5;
	s5 =	sadd.s32 s7, s2;
	s10 =	sadd.s32 $0x2A00, s11  }
0xe: {  	s11 =	sadd.s32 s13, s14;
	s13 =	simm.s32 $0x1;
	s14 =	simm.s32 $0x80  }
0xf: {  	v0 =	vimm.f32 $1.000000000e+00;
	v1 =	vimm.f32 $0.0e+00;
	s7 =	sadd.s32 $0xCC00, s8;
	s8 =	sadd.s32 $0xD600, s8;
	s17 =	sshrl.u32 s5, $0x3  }
.LBB2_1:
0x10: {  	[tilespmem:$0x100] =	vst v0  }
0x11: {  	[tilespmem:$0x110] =	vst v0  }
0x12: {  	[tilespmem:$0x120] =	vst v0  }
0x13: {  	[tilespmem:$0x130] =	vst v0  }
0x14: {  	[tilespmem:$0x140] =	vst v0  }
0x15: {  	[tilespmem:$0x150] =	vst v0  }
0x16: {  	[tilespmem:$0x160] =	vst v0  }
0x17: {  	[tilespmem:$0x170] =	vst v0  }
0x18: {  	[tilespmem:$0x180] =	vst v1  }
0x19: {  	[tilespmem:$0x190] =	vst v1  }
0x1a: {  	[tilespmem:$0x1A0] =	vst v1  }
0x1b: {  	[tilespmem:$0x1B0] =	vst v1  }
0x1c: {  	[tilespmem:$0x1C0] =	vst v1  }
0x1d: {  	[tilespmem:$0x1D0] =	vst v1  }
0x1e: {  	[tilespmem:$0x1E0] =	vst v1  }
0x1f: {  	[tilespmem:$0x1F0] =	vst v1  }
0x20: {  	[tilespmem:$0x200] =	vst v1  }
0x21: {  	[tilespmem:$0x210] =	vst v1  }
0x22: {  	[tilespmem:$0x220] =	vst v1  }
0x23: {  	[tilespmem:$0x230] =	vst v1  }
0x24: {  	[tilespmem:$0x240] =	vst v1  }
0x25: {  	[tilespmem:$0x250] =	vst v1  }
0x26: {  	[tilespmem:$0x260] =	vst v1  }
0x27: {  	[tilespmem:$0x270] =	vst v1  }
0x28: {  	[tilespmem:$0x280] =	vst v1  }
0x29: {  	[tilespmem:$0x290] =	vst v1  }
0x2a: {  	[tilespmem:$0x2A0] =	vst v1  }
0x2b: {  	[tilespmem:$0x2B0] =	vst v1  }
0x2c: {  	[tilespmem:$0x2C0] =	vst v1  }
0x2d: {  	[tilespmem:$0x2D0] =	vst v1  }
0x2e: {  	[tilespmem:$0x2E0] =	vst v1  }
0x2f: {  	[tilespmem:$0x2F0] =	vst v1  }
0x30: {  	[tilespmem:$0x300] =	vst v1  }
0x31: {  	[tilespmem:$0x310] =	vst v1  }
0x32: {  	[tilespmem:$0x320] =	vst v1  }
0x33: {  	[tilespmem:$0x330] =	vst v1  }
0x34: {  	[tilespmem:$0x340] =	vst v1  }
0x35: {  	[tilespmem:$0x350] =	vst v1  }
0x36: {  	[tilespmem:$0x360] =	vst v1  }
0x37: {  	[tilespmem:$0x370] =	vst v1  }
0x38: {  	[tilespmem:$0x380] =	vst v1  }
0x39: {  	[tilespmem:$0x390] =	vst v1  }
0x3a: {  	[tilespmem:$0x3A0] =	vst v1  }
0x3b: {  	[tilespmem:$0x3B0] =	vst v1  }
0x3c: {  	[tilespmem:$0x3C0] =	vst v1  }
0x3d: {  	[tilespmem:$0x3D0] =	vst v1  }
0x3e: {  	[tilespmem:$0x3E0] =	vst v1  }
0x3f: {  	[tilespmem:$0x3F0] =	vst v1  }
0x40: {  	[spmem:s5] =	stream.linear.scatter [tilespmem:s12], [sflag:$0x1], $0x280, $0x38;
	[tilespmem:$0x900] =	vst v63  }
0x41: {  	_ =	swait.ge [sflag:s13], $0x280  }
0x42: {  	[sflag:s13] =	ssyncset.done $0x0  }
0x43: {  	[sflag:s13] =	ssyncadd.s32 $0xFFFFFD80  }
0x44: {  	[spmem:s6] =	stream.linear.scatter [tilespmem:s12], [sflag:$0x1], $0x280, $0x38;
	[tilespmem:$0x900] =	vst v63  }
0x45: {  	_ =	swait.ge [sflag:s13], $0x280  }
0x46: {  	[sflag:s13] =	ssyncset.done $0x0  }
0x47: {  	[sflag:s13] =	ssyncadd.s32 $0xFFFFFD80  }
0x48: {  	s20 =	sadd.s32 $0x0, s11;
	[bflag:$0x0] =	sbarrier.arrive $0xFFFF  }
0x49: {  	[tilespmem:s4], [sflag:$0x1] =	stream.linear.gather [hbm4b:s20+s4], $0x80, $0x38;
	[tilespmem:$0x900] =	vst v63  }
0x4a: {  	_ =	swait.ge [sflag:s13], $0x80  }
0x4b: {  	[sflag:s13] =	ssyncset.done $0x0  }
0x4c: {  	s31 =	sadd.s32 $0x0, s10;
	[sflag:s13] =	ssyncadd.s32 $0xFFFFFF80  }
0x4d: {  	[tilespmem:s14], [sflag:$0x1] =	stream.linear.gather [hbm4b:s31+s4], $0x80, $0x38;
	[tilespmem:$0x900] =	vst v63  }
0x4e: {  	_ =	swait.ge [sflag:s13], $0x80  }
0x4f: {  	[sflag:s13] =	ssyncset.done $0x0  }
0x50: {  	[sflag:s13] =	ssyncadd.s32 $0xFFFFFF80  }
0x51: {  	[spmem:s2] =	stream.indirect.scatter.add.f32 [tilespmem:s15], [sflag:$0x1], $0x1, s4, s14, $0xb8;
	[tilespmem:$0x900] =	vst v63  }
0x52: {  	_ =	swait.ge [sflag:s13], $0x80  }
0x53: {  	[sflag:s13] =	ssyncset.done $0x0  }
0x54: {  	[sflag:s13] =	ssyncadd.s32 $0xFFFFFF80  }
0x55: {  	[spmem:s3] =	stream.indirect.scatter.add.f32 [tilespmem:s15], [sflag:$0x1], $0x1, s14, s14, $0xb8;
	[tilespmem:$0x900] =	vst v63  }
0x56: {  	_ =	swait.ge [sflag:s13], $0x80  }
0x57: {  	s21 =	simm.s32 $0x20;
	s20 =	simm.s32 $0x10;
	[sflag:s13] =	ssyncset.done $0x0  }
.LBB2_2:
0x58: {  	s22 =	sadd.s32 s20, s11  }
0x59: {  	[sflag:s13] =	ssyncadd.s32 $0xFFFFFF80;
	s23 =	smov.u32 s21;
	s24 =	sadd.s32 $0x10, s21  }
0x5a: {  	[tilespmem:s4], [sflag:$0x1] =	stream.linear.gather [hbm4b:s22+s4], $0x80, $0x38;
	[tilespmem:$0x900] =	vst v63  }
0x5b: {  	p0 =	sne.s32 s21, $0x500;
	_ =	swait.ge [sflag:s13], $0x80  }
0x5c: {  	[sflag:s13] =	ssyncset.done $0x0  }
0x5d: {  	s21 =	sadd.s32 s20, s10;
	s20 =	smov.u32 s23;
	[sflag:s13] =	ssyncadd.s32 $0xFFFFFF80  }
0x5e: {  	[tilespmem:s14], [sflag:$0x1] =	stream.linear.gather [hbm4b:s21+s4], $0x80, $0x38;
	[tilespmem:$0x900] =	vst v63  }
0x5f: {  	_ =	swait.ge [sflag:s13], $0x80  }
0x60: {  	[sflag:s13] =	ssyncset.done $0x0  }
0x61: {  	[sflag:s13] =	ssyncadd.s32 $0xFFFFFF80  }
0x62: {  	[spmem:s2] =	stream.indirect.scatter.add.f32 [tilespmem:s15], [sflag:$0x1], $0x1, s4, s14, $0xb8;
	[tilespmem:$0x900] =	vst v63  }
0x63: {  	_ =	swait.ge [sflag:s13], $0x80  }
.Ltmp0:
0x64: {  	[sflag:s13] =	ssyncset.done $0x0;
	(pc) =	sbr.rel @p0 .LBB2_2-.Ltmp0, $4  }
0x65: {  	[sflag:s13] =	ssyncadd.s32 $0xFFFFFF80  }
0x66: {  	[spmem:s3] =	stream.indirect.scatter.add.f32 [tilespmem:s15], [sflag:$0x1], $0x1, s14, s14, $0xb8;
	[tilespmem:$0x900] =	vst v63  }
0x67: {  	_ =	swait.ge [sflag:s13], $0x80  }
0x68: {  	s21 =	smov.u32 s24;
	[sflag:s13] =	ssyncset.done $0x0  }
0x69: {  	s21 =	sadd.s32 s20, s11;
	[sflag:s13] =	ssyncadd.s32 $0xFFFFFF80  }
0x6a: {  	[tilespmem:s4], [sflag:$0x1] =	stream.linear.gather [hbm4b:s21+s4], $0x80, $0x38;
	[tilespmem:$0x900] =	vst v63  }
0x6b: {  	_ =	swait.ge [sflag:s13], $0x80  }
0x6c: {  	[sflag:s13] =	ssyncset.done $0x0  }
0x6d: {  	s31 =	sadd.s32 s20, s10;
	[sflag:s13] =	ssyncadd.s32 $0xFFFFFF80  }
0x6e: {  	[tilespmem:s14], [sflag:$0x1] =	stream.linear.gather [hbm4b:s31+s4], $0x80, $0x38;
	[tilespmem:$0x900] =	vst v63  }
0x6f: {  	_ =	swait.ge [sflag:s13], $0x80  }
0x70: {  	[sflag:s13] =	ssyncset.done $0x0  }
0x71: {  	[sflag:s13] =	ssyncadd.s32 $0xFFFFFF80  }
0x72: {  	[spmem:s2] =	stream.indirect.scatter.add.f32 [tilespmem:s15], [sflag:$0x1], $0x1, s4, s14, $0xb8;
	[tilespmem:$0x900] =	vst v63  }
0x73: {  	_ =	swait.ge [sflag:s13], $0x80  }
0x74: {  	[sflag:s13] =	ssyncset.done $0x0  }
0x75: {  	[sflag:s13] =	ssyncadd.s32 $0xFFFFFF80  }
0x76: {  	[spmem:s3] =	stream.indirect.scatter.add.f32 [tilespmem:s15], [sflag:$0x1], $0x1, s14, s14, $0xb8;
	[tilespmem:$0x900] =	vst v63  }
0x77: {  	_ =	swait.ge [sflag:s13], $0x80  }
0x78: {  	[sflag:s13] =	ssyncset.done $0x0  }
0x79: {  	[sflag:s13] =	ssyncadd.s32 $0xFFFFFF80  }
0x7a: {  	[bflag:$0x0] =	sbarrier.arrive $0xFFFF  }
0x7b: {  	[hbm:s7], [sflag:s16] =	dma.local [spmem:s17], $0x50  }
0x7c: {  	s19 =	sadd.s32 $0x1, s19;
	_ =	swait.ge [sflag:s13], $0x50  }
0x7d: {  	p0 =	sne.s32 s19, s9;
	[sflag:s13] =	ssyncset.done $0x0  }
.Ltmp1:
0x7e: {  	[sflag:s13] =	ssyncadd.s32 $0xFFFFFFB0;
	(pc) =	sbr.rel @p0 .LBB2_1-.Ltmp1, $4  }
0x7f: {  	[hbm:s8], [sflag:s16] =	dma.local [spmem:s18], $0x50  }
0x80: {  	_ =	swait.ge [sflag:s13], $0x50  }
0x81: {  	[sflag:s13] =	ssyncset.done $0x0  }
0x82: {  	[sflag:s13] =	ssyncadd.s32 $0xFFFFFFB0  }
0x83: {  	_ =	sfence.sel $0x180000  }
0x84: {  	[bflag:$0x0] =	sbarrier.arrive $0xFFFF  }
0x85: {  	p0 =	sne.s32 s0, $0x0;
	_ =	strace $0x90000047  }
0x86: {  	s0 =	sadd.s32 @!p0 $0x100000, s1;
	[bflag:$0x2] =	sbarrier.arrive $0xFFFF  }
0x87: {  	[sflag:s0] =	ssyncadd.tile.s32 @!p0 $0x1;
	_ =	shalt  }
.Lfunc_end2:
_tile_overlayer_lowered:
.L_overlay_start_2:
0x88: {  	(tag) =	ssettag $0x2  }
0x89: {  	s0 =	rddreg [dreg:$0x0];
	s2 =	stileid.u32  }
0x8a: {  	s1 =	rddreg [dreg:$0x1];
	p0 =	sne.s32 s2, $0x0  }
0x8b: {  	s3 =	rddreg [dreg:$0x2];
	[bflag:$0x3] =	sbarrier.arrive $0xFFFF;
	s2 =	simm.s32 @!p0 $0x1C01  }
0x8c: {  	[timem:s3], [sflag:s2] =	dma.local @!p0 [hbm:s0], s1  }
0x8d: {  	s0 =	simm.s32 @!p0 $0x1  }
0x8e: {  	_ =	swait.ge @!p0 [sflag:s0], s1  }
0x8f: {  	s1 =	ssub.s32 @!p0 $0x0, s1;
	[sflag:s0] =	ssyncset.done @!p0 $0x0  }
0x90: {  	[sflag:s0] =	ssyncadd.s32 @!p0 s1  }
0x91: {  	[bflag:$0x3] =	sbarrier.arrive $0xFFFF  }
0x92: {  	_ =	shalt  }

// kernel: kernel.13.cloned.1.call-start
scs
__scs_entry_jumppad:
0x0: {  	(pc) =	sbr.rel $0x88, $3  }
0x1: {  	(tag) =	ssettag $0x0;
	lr =	simm.s32 $0x1  }
0x2: {  	[smem:$0x3F99] =	sst lr;
	_ =	strace $0xD0000000  }
0x3: {  	_ = 	snop  }
0x4: {  	_ = 	snop  }
0x5: {  	_ = 	snop  }
0x6: {  	_ = 	snop  }
0x7: {  	_ = 	snop  }
__scs_overlays_trampoline_lowered:
0x8: {  	[smem:$0x3FA8] =	sst s0  }
0x9: {  	[smem:$0x3FA9] =	sst s1  }
0xa: {  	[smem:$0x3FAA] =	sst s2  }
0xb: {  	[smem:$0x3FAB] =	sst s3  }
0xc: {  	[smem:$0x3FAC] =	sst s4  }
0xd: {  	[smem:$0x3FAD] =	sst s5  }
0xe: {  	[smem:$0x3FAE] =	sst s6  }
0xf: {  	[smem:$0x3FAF] =	sst s7  }
0x10: {  	[smem:$0x3FB0] =	sst s8  }
0x11: {  	[smem:$0x3FB1] =	sst s9;
	s0 =	simm.s32 @!p0 $0x0  }
0x12: {  	s1 =	sld [smem:$0x3F97];
	s0 =	simm.s32 @p0 $0x1  }
0x13: {  	[smem:$0x3FB2] =	sst s0;
	s0 =	simm.s32 @!p1 $0x0  }
0x14: {  	s2 =	sld [smem:$0x3F96];
	s0 =	simm.s32 @p1 $0x1  }
0x15: {  	[smem:$0x3FB3] =	sst s0;
	s0 =	simm.s32 @!p2 $0x0  }
0x16: {  	s3 =	sld [smem:$0x3FDB];
	s0 =	simm.s32 @p2 $0x1  }
0x17: {  	s4 =	simm.s32 $0x1BF5;
	[smem:$0x3FB5] =	sst s0  }
0x18: {  	s0 =	sld [smem:$0x3F98];
	_ =	swait.ge [sflag:s4], $0x0  }
0x19: {  	s7 =	sld [smem:$0x3F99]  }
0x1a: {  	s8 =	sadd.s32 $0xFFFFE003, lr  }
0x1b: {  	s9 =	sadd.s32 $0xFFFFFEF7, lr;
	s5 =	simm.s32 $0xFFFFFFFF;
	p2 =	slt.u32 s8, $0xFFFFF086  }
0x1c: {  	p1 =	slt.u32 s9, $0xF7A;
	s5 =	simm.s32 @!p2 $0x0  }
0x1d: {  	s5 =	simm.s32 @p1 $0x1;
	p0 =	seq.s32 s7, s2  }
0x1e: {  	s7 =	smul.u32 @!p0 $0xF7A, s2;
	p2 =	seq.s32 @!p0 s5, $0x0  }
0x1f: {  	s9 =	smul.u32 $0xF7A, s1;
	s8 =	simm.s32 @!p0 $0x1BF5;
	p2 =	por !p2, p0  }
0x20: {  	[sflag:s8] =	ssyncset.s32 @!p0 $0xFFFFF086;
	s6 =	sadd.s32 @!p0 s3, s7;
	s7 =	simm.s32 @!p0 $0x108  }
0x21: {  	s3 =	sadd.s32 s3, s9;
	s6 =	sadd.s32 @!p0 $0x88, s6;
	s7 =	simm.s32 @p2 $0x1082  }
0x22: {  	[simem:s7], [sflag:s8] =	dma.local @!p0 [hbm:s6], $0xF7A  }
0x23: {  	s9 =	sor.u32 $0xD0000000, s2;
	s6 =	simm.s32 $0x108;
	_ =	swait.ge @!p0 [sflag:s8], $0x0  }
0x24: {  	s3 =	sadd.s32 $0x88, s3;
	s6 =	simm.s32 @!p1 $0x1082;
	[sflag:s4] =	ssyncset.s32 $0xFFFFF086  }
0x25: {  	[simem:s6], [sflag:s4] =	dma.local [hbm:s3], $0xF7A  }
0x26: {  	[smem:$0x3F99] =	sst s1;
	(tag) =	ssettag s2;
	_ =	strace s9  }
0x27: {  	s1 =	sld [smem:$0x3FA9]  }
0x28: {  	s2 =	sld [smem:$0x3FAA]  }
0x29: {  	s4 =	sld [smem:$0x3FAC]  }
0x2a: {  	p0 =	seq.s32 s5, $0x0;
	s5 =	sld [smem:$0x3FAD]  }
0x2b: {  	s6 =	sld [smem:$0x3FAE]  }
0x2c: {  	s7 =	sld [smem:$0x3FAF]  }
0x2d: {  	s3 =	simm.s32 $0x108;
	s8 =	sld [smem:$0x3FB0]  }
0x2e: {  	s3 =	simm.s32 @!p0 $0x1082;
	s9 =	sld [smem:$0x3FB1]  }
0x2f: {  	lr =	sadd.s32 s0, s3;
	s0 =	sld [smem:$0x3FA8]  }
0x30: {  	s3 =	sld [smem:$0x3FAB]  }
0x31: {  	[smem:$0x3FB4] =	sst s10  }
0x32: {  	s10 =	sld [smem:$0x3FB2];
	_ =	sdelay $0x3  }
0x33: {  	p0 =	seq.s32 s10, $0x1;
	s10 =	sld [smem:$0x3FB4];
	_ =	sdelay $0x3  }
0x34: {  	[smem:$0x3FB4] =	sst s10  }
0x35: {  	s10 =	sld [smem:$0x3FB3];
	_ =	sdelay $0x3  }
0x36: {  	p1 =	seq.s32 s10, $0x1;
	s10 =	sld [smem:$0x3FB4];
	_ =	sdelay $0x3  }
0x37: {  	[smem:$0x3FB4] =	sst s10  }
0x38: {  	s10 =	sld [smem:$0x3FB5]  }
0x39: {  	_ = 	snop;
	(pc) =	sbr.ind lr, $3  }
0x3a: {  	_ = 	snop  }
0x3b: {  	_ = 	snop  }
0x3c: {  	p2 =	seq.s32 s10, $0x1;
	s10 =	sld [smem:$0x3FB4]  }
0x3d: {  	_ =	shalt  }
0x3e: {  	_ =	shalt  }
0x3f: {  	_ =	shalt  }
0x40: {  	_ =	shalt  }
0x41: {  	_ =	shalt  }
0x42: {  	_ =	shalt  }
0x43: {  	_ =	shalt  }
0x44: {  	_ =	shalt  }
0x45: {  	_ =	shalt  }
0x46: {  	_ =	shalt  }
0x47: {  	_ =	shalt  }
0x48: {  	_ =	shalt  }
0x49: {  	_ =	shalt  }
0x4a: {  	_ =	shalt  }
0x4b: {  	_ =	shalt  }
0x4c: {  	_ =	shalt  }
0x4d: {  	_ =	shalt  }
0x4e: {  	_ =	shalt  }
0x4f: {  	_ =	shalt  }
0x50: {  	_ =	shalt  }
0x51: {  	_ =	shalt  }
0x52: {  	_ =	shalt  }
0x53: {  	_ =	shalt  }
0x54: {  	_ =	shalt  }
0x55: {  	_ =	shalt  }
0x56: {  	_ =	shalt  }
0x57: {  	_ =	shalt  }
0x58: {  	_ =	shalt  }
0x59: {  	_ =	shalt  }
0x5a: {  	_ =	shalt  }
0x5b: {  	_ =	shalt  }
0x5c: {  	_ =	shalt  }
0x5d: {  	_ =	shalt  }
0x5e: {  	_ =	shalt  }
0x5f: {  	_ =	shalt  }
0x60: {  	_ =	shalt  }
0x61: {  	_ =	shalt  }
0x62: {  	_ =	shalt  }
0x63: {  	_ =	shalt  }
0x64: {  	_ =	shalt  }
0x65: {  	_ =	shalt  }
0x66: {  	_ =	shalt  }
0x67: {  	_ =	shalt  }
0x68: {  	_ =	shalt  }
0x69: {  	_ =	shalt  }
0x6a: {  	_ =	shalt  }
0x6b: {  	_ =	shalt  }
0x6c: {  	_ =	shalt  }
0x6d: {  	_ =	shalt  }
0x6e: {  	_ =	shalt  }
0x6f: {  	_ =	shalt  }
0x70: {  	_ =	shalt  }
0x71: {  	_ =	shalt  }
0x72: {  	_ =	shalt  }
0x73: {  	_ =	shalt  }
0x74: {  	_ =	shalt  }
0x75: {  	_ =	shalt  }
0x76: {  	_ =	shalt  }
0x77: {  	_ =	shalt  }
0x78: {  	_ =	shalt  }
0x79: {  	_ =	shalt  }
0x7a: {  	_ =	shalt  }
0x7b: {  	_ =	shalt  }
0x7c: {  	_ =	shalt  }
0x7d: {  	_ =	shalt  }
0x7e: {  	_ =	shalt  }
0x7f: {  	_ =	shalt  }
0x80: {  	_ =	shalt  }
0x81: {  	_ =	shalt  }
0x82: {  	_ =	shalt  }
0x83: {  	_ =	shalt  }
0x84: {  	_ =	shalt  }
0x85: {  	_ =	shalt  }
0x86: {  	_ =	shalt  }
0x87: {  	_ =	shalt  }
.Lfunc_end0:
.L_simem_size_0:
called_computation.1_lowered:
.L_overlay_start_0:
0x88: {  	s2 =	sld [smem:$0x3FD9]  }
0x89: {  	s3 =	sld [smem:$0x3FFE];
	_ =	sdelay $0x1  }
0x8a: {  	s1 =	srdreg.scid  }
0x8b: {  	s0 =	sand.u32 $0x1, s1  }
0x8c: {  	s17 =	sshll.u32 s0, $0xA;
	s2 =	sadd.s32 s3, s2  }
0x8d: {  	s2 =	sadd.s32 s2, s17  }
0x8e: {  	[smem:$0x3FC0] =	sst s2  }
0x8f: {  	_ = 	snop  }
0x90: {  	s2 =	sld [smem:$0x3FD0];
	(tm) =	ssettm $0x1  }
0x91: {  	s18 =	sld [smem:$0x3FFB];
	_ =	sdelay $0x3  }
0x92: {  	_ =	strace s18  }
0x93: {  	s3 =	sld [smem:$0x3FFC];
	_ =	sdelay $0x3  }
0x94: {  	_ =	strace s3  }
0x95: {  	s3 =	sld [smem:$0x3FFD];
	_ =	sdelay $0x3  }
0x96: {  	_ =	strace s3  }
0x97: {  	_ =	strace $0x8FFFFFFF  }
0x98: {  	s19 =	sld [smem:$0x3FDB];
	_ =	sdelay $0x1  }
0x99: {  	s4 =	simm.s32 $_scs_section_size  }
0x9a: {  	s5 =	simm.s32 $_size__tile_overlayer_lowered;
	s6 =	simm.s32 $_tile_overlayer_lowered  }
0x9b: {  	s22 =	simm.s32 $0x1BFF;
	s21 =	sshll.u32 s6, $0x1;
	s3 =	sadd.s32 s4, s19  }
0x9c: {  	s7 =	simm.s32 $0x0;
	s20 =	sshll.u32 s5, $0x1;
	s5 =	sadd.s32 s21, s3  }
0x9d: {  	[timem:s7], [sflag:s22] =	dma.local [hbm:s5], s20  }
0x9e: {  	_ =	swait.ge [sflag:s22], s20  }
0x9f: {  	s4 =	ssub.s32 $0x0, s20;
	[sflag:s22] =	ssyncset.done $0x0  }
0xa0: {  	[sflag:s22] =	ssyncadd.s32 s4;
	_ =	sdelay $0x1  }
0xa1: {  	s23 =	simm.s32 $0x1B8B  }
0xa2: {  	_ =	swait.ge [sflag:s23], $0x1  }
0xa3: {  	[sflag:s23] =	ssyncset.done $0x0  }
0xa4: {  	s25 =	simm.s32 $0x1B8E;
	s24 =	sld [smem:$0x3FFE];
	[sflag:s23] =	ssyncadd.s32 $0xFFFFFFFF  }
0xa5: {  	s26 =	simm.s32 $execute0_lowered;
	[smem:$0x3FD2] =	sst s25  }
0xa6: {  	s5 =	sshll.u32 s26, $0x1;
	_ =	strace $0x80000049;
	[dreg:$0x1] =	wrdreg $0xFFFFFFFF  }
0xa7: {  	s28 =	simm.s32 $_size_execute0_lowered;
	s3 =	sadd.s32 s3, s5;
	[dreg:$0x0] =	wrdreg $0x0  }
0xa8: {  	s5 =	sshll.u32 s28, $0x1;
	[dreg:$0x2] =	wrdreg s3  }
0xa9: {  	[dreg:$0x3] =	wrdreg s5  }
0xaa: {  	[dreg:$0x4] =	wrdreg $0xC0  }
0xab: {  	_ =	task [dreg:s7], $0x5FFFF  }
0xac: {  	[dreg:$0x1] =	wrdreg $0xFFFFFFFF  }
0xad: {  	[dreg:$0x0] =	wrdreg $0x60  }
0xae: {  	[dreg:$0x2] =	wrdreg s24  }
0xaf: {  	[dreg:$0x3] =	wrdreg s2  }
0xb0: {  	[dreg:$0x4] =	wrdreg $0x81000  }
0xb1: {  	[dreg:$0x5] =	wrdreg $0x9  }
0xb2: {  	_ =	task.clear_ibuf [dreg:s7], $0x6FFFF;
	_ =	strace $0x90000049  }
0xb3: {  	s29 =	simm.s32 $0x9;
	_ =	strace $0x8000004B  }
0xb4: {  	_ =	swait.ge [sflag:s29], $0x1  }
0xb5: {  	[sflag:s29] =	ssyncadd.s32 $0xFFFFFFFF  }
0xb6: {  	_ =	strace $0x9000004B  }
0xb7: {  	_ =	sfence  }
0xb8: {  	s30 =	sld [smem:$0x0];
	_ =	sdelay $0x2  }
0xb9: {  	s31 =	sshll.u32 s1, $0xD;
	s1 =	sshrl.u32 s1, $0x2  }
0xba: {  	s3 =	sand.u32 $0x4000, s31;
	s1 =	sadd.s32 s1, s30  }
0xbb: {  	s0 =	sor.u32 s3, s0;
	s1 =	sshll.u32 s1, $0x11  }
0xbc: {  	s0 =	sor.u32 s1, s0  }
0xbd: {  	s0 =	sadd.s32 $0x8F2B, s0  }
0xbe: {  	[sflag:s0] =	ssyncadd.remote.s32 $0x1  }
0xbf: {  	_ =	sfence.sel $0xFFFF  }
0xc0: {  	[dreg:$0x0] =	wrdreg $0xFFFFFFFF;
	(pc) =	sbr.abs _section_cstart, $3  }
0xc1: {  	[dreg:$0x1] =	wrdreg $0xFFFFFFFF  }
0xc2: {  	_ =	task.clear_ibuf [dreg:s7], $0x2FFFF;
	_ =	strace $0x9FFFFFFF  }
0xc3: {  	(tm) =	ssettm $0x7FFFFFFF  }
tec
execute0_lowered:
.L_overlay_start_1:
0x0: {  	(tag) =	ssettag $0x1  }
0x1: {  	s5 =	rddreg [dreg:$0x0]  }
0x2: {  	s11 =	rddreg [dreg:$0x1];
	s0 =	srdreg.scid  }
0x3: {  	s1 =	rddreg [dreg:$0x2];
	s2 =	stileid.u32  }
0x4: {  	s3 =	simm.s32 $0x0;
	s17 =	simm.s32 $0x100;
	s8 =	smul.u32 $0x14000, s2  }
0x5: {  	s18 =	simm.s32 $0x1;
	s21 =	simm.s32 $0x0;
	s9 =	smul.u32 $0x50000, s2  }
0x6: {  	s6 =	sand.u32 $0x1, s0;
	s0 =	rddreg [dreg:$0x3];
	s15 =	smul.u32 $0x510, s2  }
0x7: {  	[smem:$0x7FF] =	sst s3;
	s4 =	sadd.s32 $0xCC00, s5;
	s12 =	smul.u32 $0x5100, s6  }
0x8: {  	s19 =	sshll.u32 s2, $0x6;
	s7 =	smul.u32 $0x140000, s6;
	_ =	strace $0x8000004A  }
0x9: {  	s6 =	ssub.s32 $0x2, s6;
	s19 =	sor.u32 $0x1C02, s19;
	s30 =	sshrl.u32 s9, $0x2  }
0xa: {  	s31 =	sshrl.u32 s6, $0x1;
	s13 =	sadd.s32 s12, s5;
	s7 =	sadd.s32 s8, s7  }
0xb: {  	s14 =	ssub.s32 s6, s31;
	s16 =	sadd.s32 s12, s11;
	s7 =	sshrl.u32 s7, $0x3  }
0xc: {  	s13 =	sadd.s32 s15, s13;
	s11 =	smax.u32 s14, $0x1;
	s14 =	simm.s32 $0x4100  }
0xd: {  	s10 =	sadd.s32 s7, s5;
	s5 =	sadd.s32 s30, s1;
	s12 =	sadd.s32 $0x2A00, s13  }
0xe: {  	s13 =	sadd.s32 s15, s16;
	s15 =	simm.s32 $0x2;
	s16 =	simm.s32 $0x80  }
0xf: {  	s6 =	sadd.s32 $0x4000, s5;
	s7 =	sadd.s32 $0x8000, s5;
	s8 =	sadd.s32 $0xC000, s5  }
0x10: {  	v0 =	vimm.f32 $0.0e+00;
	s9 =	sadd.s32 $0x10000, s5;
	s10 =	sadd.s32 $0x34C00, s10;
	s20 =	sshrl.u32 s5, $0x3  }
.LBB2_1:
0x11: {  	s22 =	simm.s32 $0x0;
	s23 =	simm.s32 $0x200  }
.LBB2_2:
0x12: {  	p0 =	sne.s32 s23, $0xFE00;
	[tilespmem:s22+$0x4170] =	vst v0  }
0x13: {  	[tilespmem:s22+$0x4100] =	vst v0  }
0x14: {  	[tilespmem:s22+$0x4110] =	vst v0  }
.Ltmp0:
0x15: {  	[tilespmem:s22+$0x4120] =	vst v0;
	(pc) =	sbr.rel @p0 .LBB2_2-.Ltmp0, $4  }
0x16: {  	[tilespmem:s22+$0x4130] =	vst v0  }
0x17: {  	[tilespmem:s22+$0x4140] =	vst v0  }
0x18: {  	[tilespmem:s22+$0x4150] =	vst v0  }
0x19: {  	[tilespmem:s22+$0x4160] =	vst v0;
	s22 =	sshra.s32 s23, $0x2;
	s23 =	sadd.s32 $0x200, s23  }
0x1a: {  	[tilespmem:s22+$0x4170] =	vst v0  }
0x1b: {  	[tilespmem:s22+$0x4100] =	vst v0  }
0x1c: {  	[tilespmem:s22+$0x4110] =	vst v0  }
0x1d: {  	[tilespmem:s22+$0x4120] =	vst v0  }
0x1e: {  	[tilespmem:s22+$0x4130] =	vst v0  }
0x1f: {  	[tilespmem:s22+$0x4140] =	vst v0  }
0x20: {  	[tilespmem:s22+$0x4150] =	vst v0  }
0x21: {  	[tilespmem:s22+$0x4160] =	vst v0  }
0x22: {  	[spmem:s5] =	stream.linear.scatter [tilespmem:s14], [sflag:$0x2], $0x4000, $0x38;
	[tilespmem:$0x1C100] =	vst v63  }
0x23: {  	_ =	swait.ge [sflag:s15], $0x4000  }
0x24: {  	[sflag:s15] =	ssyncset.done $0x0  }
0x25: {  	[sflag:s15] =	ssyncadd.s32 $0xFFFFC000  }
0x26: {  	[spmem:s6] =	stream.linear.scatter [tilespmem:s14], [sflag:$0x2], $0x4000, $0x38;
	[tilespmem:$0x1C100] =	vst v63  }
0x27: {  	_ =	swait.ge [sflag:s15], $0x4000  }
0x28: {  	[sflag:s15] =	ssyncset.done $0x0  }
0x29: {  	[sflag:s15] =	ssyncadd.s32 $0xFFFFC000  }
0x2a: {  	[spmem:s7] =	stream.linear.scatter [tilespmem:s14], [sflag:$0x2], $0x4000, $0x38;
	[tilespmem:$0x1C100] =	vst v63  }
0x2b: {  	_ =	swait.ge [sflag:s15], $0x4000  }
0x2c: {  	[sflag:s15] =	ssyncset.done $0x0  }
0x2d: {  	[sflag:s15] =	ssyncadd.s32 $0xFFFFC000  }
0x2e: {  	[spmem:s8] =	stream.linear.scatter [tilespmem:s14], [sflag:$0x2], $0x4000, $0x38;
	[tilespmem:$0x1C100] =	vst v63  }
0x2f: {  	_ =	swait.ge [sflag:s15], $0x4000  }
0x30: {  	[sflag:s15] =	ssyncset.done $0x0  }
0x31: {  	[sflag:s15] =	ssyncadd.s32 $0xFFFFC000  }
0x32: {  	[spmem:s9] =	stream.linear.scatter [tilespmem:s14], [sflag:$0x2], $0x4000, $0x38;
	[tilespmem:$0x1C100] =	vst v63  }
0x33: {  	_ =	swait.ge [sflag:s15], $0x4000  }
0x34: {  	[sflag:s15] =	ssyncset.done $0x0  }
0x35: {  	[sflag:s15] =	ssyncadd.s32 $0xFFFFC000  }
0x36: {  	s30 =	sadd.s32 $0x0, s13;
	[bflag:$0x0] =	sbarrier.arrive $0xFFFF  }
0x37: {  	[tilespmem:s3], [sflag:$0x2] =	stream.linear.gather [hbm4b:s30+s3], $0x80, $0x38;
	[tilespmem:$0x1C100] =	vst v63  }
0x38: {  	_ =	swait.ge [sflag:s15], $0x80  }
0x39: {  	[sflag:s15] =	ssyncset.done $0x0  }
0x3a: {  	s31 =	sadd.s32 $0x0, s12;
	[sflag:s15] =	ssyncadd.s32 $0xFFFFFF80  }
0x3b: {  	[tilespmem:s16], [sflag:$0x2] =	stream.linear.gather [hbm4b:s31+s3], $0x80, $0x38;
	[tilespmem:$0x1C100] =	vst v63  }
0x3c: {  	_ =	swait.ge [sflag:s15], $0x80  }
0x3d: {  	[sflag:s15] =	ssyncset.done $0x0  }
0x3e: {  	[sflag:s15] =	ssyncadd.s32 $0xFFFFFF80  }
0x3f: {  	[tilespmem:s17], [sflag:$0x1] =	stream.indirect.gather [hbm4b:s4+s16], $0x80, s3, s16, $0xb8;
	[tilespmem:$0x1C100] =	vst v63  }
0x40: {  	_ =	swait.ge [sflag:s18], $0x4000  }
0x41: {  	[sflag:s18] =	ssyncset.done $0x0  }
0x42: {  	[sflag:s18] =	ssyncadd.s32 $0xFFFFC000  }
0x43: {  	[spmem:s1] =	stream.indirect.scatter.add.f32 [tilespmem:s17], [sflag:$0x2], $0x80, s16, s16, $0xb8;
	[tilespmem:$0x1C100] =	vst v63  }
0x44: {  	_ =	swait.ge [sflag:s15], $0x4000  }
0x45: {  	s22 =	simm.s32 $0x10;
	s23 =	simm.s32 $0x20;
	[sflag:s15] =	ssyncset.done $0x0  }
.LBB2_4:
0x46: {  	s24 =	sadd.s32 s22, s13  }
0x47: {  	[sflag:s15] =	ssyncadd.s32 $0xFFFFC000;
	s25 =	smov.u32 s23;
	s26 =	sadd.s32 $0x10, s23  }
0x48: {  	[tilespmem:s3], [sflag:$0x2] =	stream.linear.gather [hbm4b:s24+s3], $0x80, $0x38;
	[tilespmem:$0x1C100] =	vst v63  }
0x49: {  	p0 =	sne.s32 s23, $0x500;
	_ =	swait.ge [sflag:s15], $0x80  }
0x4a: {  	[sflag:s15] =	ssyncset.done $0x0  }
0x4b: {  	s23 =	sadd.s32 s22, s12;
	s22 =	smov.u32 s25;
	[sflag:s15] =	ssyncadd.s32 $0xFFFFFF80  }
0x4c: {  	[tilespmem:s16], [sflag:$0x2] =	stream.linear.gather [hbm4b:s23+s3], $0x80, $0x38;
	[tilespmem:$0x1C100] =	vst v63  }
0x4d: {  	_ =	swait.ge [sflag:s15], $0x80  }
0x4e: {  	[sflag:s15] =	ssyncset.done $0x0  }
0x4f: {  	[sflag:s15] =	ssyncadd.s32 $0xFFFFFF80  }
0x50: {  	[tilespmem:s17], [sflag:$0x1] =	stream.indirect.gather [hbm4b:s4+s16], $0x80, s3, s16, $0xb8;
	[tilespmem:$0x1C100] =	vst v63  }
0x51: {  	_ =	swait.ge [sflag:s18], $0x4000  }
.Ltmp1:
0x52: {  	[sflag:s18] =	ssyncset.done $0x0;
	(pc) =	sbr.rel @p0 .LBB2_4-.Ltmp1, $4  }
0x53: {  	[sflag:s18] =	ssyncadd.s32 $0xFFFFC000  }
0x54: {  	[spmem:s1] =	stream.indirect.scatter.add.f32 [tilespmem:s17], [sflag:$0x2], $0x80, s16, s16, $0xb8;
	[tilespmem:$0x1C100] =	vst v63  }
0x55: {  	_ =	swait.ge [sflag:s15], $0x4000  }
0x56: {  	s23 =	smov.u32 s26;
	[sflag:s15] =	ssyncset.done $0x0  }
0x57: {  	s23 =	sadd.s32 s22, s13;
	[sflag:s15] =	ssyncadd.s32 $0xFFFFC000  }
0x58: {  	[tilespmem:s3], [sflag:$0x2] =	stream.linear.gather [hbm4b:s23+s3], $0x80, $0x38;
	[tilespmem:$0x1C100] =	vst v63  }
0x59: {  	_ =	swait.ge [sflag:s15], $0x80  }
0x5a: {  	[sflag:s15] =	ssyncset.done $0x0  }
0x5b: {  	s31 =	sadd.s32 s22, s12;
	[sflag:s15] =	ssyncadd.s32 $0xFFFFFF80  }
0x5c: {  	[tilespmem:s16], [sflag:$0x2] =	stream.linear.gather [hbm4b:s31+s3], $0x80, $0x38;
	[tilespmem:$0x1C100] =	vst v63  }
0x5d: {  	_ =	swait.ge [sflag:s15], $0x80  }
0x5e: {  	[sflag:s15] =	ssyncset.done $0x0  }
0x5f: {  	[sflag:s15] =	ssyncadd.s32 $0xFFFFFF80  }
0x60: {  	[tilespmem:s17], [sflag:$0x1] =	stream.indirect.gather [hbm4b:s4+s16], $0x80, s3, s16, $0xb8;
	[tilespmem:$0x1C100] =	vst v63  }
0x61: {  	_ =	swait.ge [sflag:s18], $0x4000  }
0x62: {  	[sflag:s18] =	ssyncset.done $0x0  }
0x63: {  	[sflag:s18] =	ssyncadd.s32 $0xFFFFC000  }
0x64: {  	[spmem:s1] =	stream.indirect.scatter.add.f32 [tilespmem:s17], [sflag:$0x2], $0x80, s16, s16, $0xb8;
	[tilespmem:$0x1C100] =	vst v63  }
0x65: {  	_ =	swait.ge [sflag:s15], $0x4000  }
0x66: {  	s21 =	sadd.s32 $0x1, s21;
	[sflag:s15] =	ssyncset.done $0x0  }
0x67: {  	p0 =	sne.s32 s21, s11;
	[sflag:s15] =	ssyncadd.s32 $0xFFFFC000  }
.Ltmp2:
0x68: {  	[bflag:$0x0] =	sbarrier.arrive $0xFFFF;
	(pc) =	sbr.rel @p0 .LBB2_1-.Ltmp2, $4  }
0x69: {  	[hbm:s10], [sflag:s19] =	dma.local [spmem:s20], $0x2800  }
0x6a: {  	_ =	swait.ge [sflag:s15], $0x2800  }
0x6b: {  	[sflag:s15] =	ssyncset.done $0x0  }
0x6c: {  	[sflag:s15] =	ssyncadd.s32 $0xFFFFD800  }
0x6d: {  	_ =	sfence.sel $0x180000  }
0x6e: {  	[bflag:$0x0] =	sbarrier.arrive $0xFFFF  }
0x6f: {  	p0 =	sne.s32 s2, $0x0;
	_ =	strace $0x9000004A  }
0x70: {  	s0 =	sadd.s32 @!p0 $0x100000, s0;
	[bflag:$0x2] =	sbarrier.arrive $0xFFFF  }
0x71: {  	[sflag:s0] =	ssyncadd.tile.s32 @!p0 $0x1;
	_ =	shalt  }
.Lfunc_end2:
_tile_overlayer_lowered:
.L_overlay_start_2:
0x72: {  	(tag) =	ssettag $0x2  }
0x73: {  	s0 =	rddreg [dreg:$0x0];
	s2 =	stileid.u32  }
0x74: {  	s1 =	rddreg [dreg:$0x1];
	p0 =	sne.s32 s2, $0x0  }
0x75: {  	s3 =	rddreg [dreg:$0x2];
	[bflag:$0x3] =	sbarrier.arrive $0xFFFF;
	s2 =	simm.s32 @!p0 $0x1C02  }
0x76: {  	[timem:s3], [sflag:s2] =	dma.local @!p0 [hbm:s0], s1  }
0x77: {  	s0 =	simm.s32 @!p0 $0x2  }
0x78: {  	_ =	swait.ge @!p0 [sflag:s0], s1  }
0x79: {  	s1 =	ssub.s32 @!p0 $0x0, s1;
	[sflag:s0] =	ssyncset.done @!p0 $0x0  }
0x7a: {  	[sflag:s0] =	ssyncadd.s32 @!p0 s1  }
0x7b: {  	[bflag:$0x3] =	sbarrier.arrive $0xFFFF  }
0x7c: {  	_ =	shalt  }

// kernel: kernel.16.cloned.1.call-start
scs
__scs_entry_jumppad:
0x0: {  	(pc) =	sbr.rel $0x88, $3  }
0x1: {  	(tag) =	ssettag $0x0;
	lr =	simm.s32 $0x1  }
0x2: {  	[smem:$0x3F99] =	sst lr;
	_ =	strace $0xD0000000  }
0x3: {  	_ = 	snop  }
0x4: {  	_ = 	snop  }
0x5: {  	_ = 	snop  }
0x6: {  	_ = 	snop  }
0x7: {  	_ = 	snop  }
__scs_overlays_trampoline_lowered:
0x8: {  	[smem:$0x3FA8] =	sst s0  }
0x9: {  	[smem:$0x3FA9] =	sst s1  }
0xa: {  	[smem:$0x3FAA] =	sst s2  }
0xb: {  	[smem:$0x3FAB] =	sst s3  }
0xc: {  	[smem:$0x3FAC] =	sst s4  }
0xd: {  	[smem:$0x3FAD] =	sst s5  }
0xe: {  	[smem:$0x3FAE] =	sst s6  }
0xf: {  	[smem:$0x3FAF] =	sst s7  }
0x10: {  	[smem:$0x3FB0] =	sst s8  }
0x11: {  	[smem:$0x3FB1] =	sst s9;
	s0 =	simm.s32 @!p0 $0x0  }
0x12: {  	s1 =	sld [smem:$0x3F97];
	s0 =	simm.s32 @p0 $0x1  }
0x13: {  	[smem:$0x3FB2] =	sst s0;
	s0 =	simm.s32 @!p1 $0x0  }
0x14: {  	s2 =	sld [smem:$0x3F96];
	s0 =	simm.s32 @p1 $0x1  }
0x15: {  	[smem:$0x3FB3] =	sst s0;
	s0 =	simm.s32 @!p2 $0x0  }
0x16: {  	s3 =	sld [smem:$0x3FDB];
	s0 =	simm.s32 @p2 $0x1  }
0x17: {  	s4 =	simm.s32 $0x1BF5;
	[smem:$0x3FB5] =	sst s0  }
0x18: {  	s0 =	sld [smem:$0x3F98];
	_ =	swait.ge [sflag:s4], $0x0  }
0x19: {  	s7 =	sld [smem:$0x3F99]  }
0x1a: {  	s8 =	sadd.s32 $0xFFFFE003, lr  }
0x1b: {  	s9 =	sadd.s32 $0xFFFFFEF7, lr;
	s5 =	simm.s32 $0xFFFFFFFF;
	p2 =	slt.u32 s8, $0xFFFFF086  }
0x1c: {  	p1 =	slt.u32 s9, $0xF7A;
	s5 =	simm.s32 @!p2 $0x0  }
0x1d: {  	s5 =	simm.s32 @p1 $0x1;
	p0 =	seq.s32 s7, s2  }
0x1e: {  	s7 =	smul.u32 @!p0 $0xF7A, s2;
	p2 =	seq.s32 @!p0 s5, $0x0  }
0x1f: {  	s9 =	smul.u32 $0xF7A, s1;
	s8 =	simm.s32 @!p0 $0x1BF5;
	p2 =	por !p2, p0  }
0x20: {  	[sflag:s8] =	ssyncset.s32 @!p0 $0xFFFFF086;
	s6 =	sadd.s32 @!p0 s3, s7;
	s7 =	simm.s32 @!p0 $0x108  }
0x21: {  	s3 =	sadd.s32 s3, s9;
	s6 =	sadd.s32 @!p0 $0x88, s6;
	s7 =	simm.s32 @p2 $0x1082  }
0x22: {  	[simem:s7], [sflag:s8] =	dma.local @!p0 [hbm:s6], $0xF7A  }
0x23: {  	s9 =	sor.u32 $0xD0000000, s2;
	s6 =	simm.s32 $0x108;
	_ =	swait.ge @!p0 [sflag:s8], $0x0  }
0x24: {  	s3 =	sadd.s32 $0x88, s3;
	s6 =	simm.s32 @!p1 $0x1082;
	[sflag:s4] =	ssyncset.s32 $0xFFFFF086  }
0x25: {  	[simem:s6], [sflag:s4] =	dma.local [hbm:s3], $0xF7A  }
0x26: {  	[smem:$0x3F99] =	sst s1;
	(tag) =	ssettag s2;
	_ =	strace s9  }
0x27: {  	s1 =	sld [smem:$0x3FA9]  }
0x28: {  	s2 =	sld [smem:$0x3FAA]  }
0x29: {  	s4 =	sld [smem:$0x3FAC]  }
0x2a: {  	p0 =	seq.s32 s5, $0x0;
	s5 =	sld [smem:$0x3FAD]  }
0x2b: {  	s6 =	sld [smem:$0x3FAE]  }
0x2c: {  	s7 =	sld [smem:$0x3FAF]  }
0x2d: {  	s3 =	simm.s32 $0x108;
	s8 =	sld [smem:$0x3FB0]  }
0x2e: {  	s3 =	simm.s32 @!p0 $0x1082;
	s9 =	sld [smem:$0x3FB1]  }
0x2f: {  	lr =	sadd.s32 s0, s3;
	s0 =	sld [smem:$0x3FA8]  }
0x30: {  	s3 =	sld [smem:$0x3FAB]  }
0x31: {  	[smem:$0x3FB4] =	sst s10  }
0x32: {  	s10 =	sld [smem:$0x3FB2];
	_ =	sdelay $0x3  }
0x33: {  	p0 =	seq.s32 s10, $0x1;
	s10 =	sld [smem:$0x3FB4];
	_ =	sdelay $0x3  }
0x34: {  	[smem:$0x3FB4] =	sst s10  }
0x35: {  	s10 =	sld [smem:$0x3FB3];
	_ =	sdelay $0x3  }
0x36: {  	p1 =	seq.s32 s10, $0x1;
	s10 =	sld [smem:$0x3FB4];
	_ =	sdelay $0x3  }
0x37: {  	[smem:$0x3FB4] =	sst s10  }
0x38: {  	s10 =	sld [smem:$0x3FB5]  }
0x39: {  	_ = 	snop;
	(pc) =	sbr.ind lr, $3  }
0x3a: {  	_ = 	snop  }
0x3b: {  	_ = 	snop  }
0x3c: {  	p2 =	seq.s32 s10, $0x1;
	s10 =	sld [smem:$0x3FB4]  }
0x3d: {  	_ =	shalt  }
0x3e: {  	_ =	shalt  }
0x3f: {  	_ =	shalt  }
0x40: {  	_ =	shalt  }
0x41: {  	_ =	shalt  }
0x42: {  	_ =	shalt  }
0x43: {  	_ =	shalt  }
0x44: {  	_ =	shalt  }
0x45: {  	_ =	shalt  }
0x46: {  	_ =	shalt  }
0x47: {  	_ =	shalt  }
0x48: {  	_ =	shalt  }
0x49: {  	_ =	shalt  }
0x4a: {  	_ =	shalt  }
0x4b: {  	_ =	shalt  }
0x4c: {  	_ =	shalt  }
0x4d: {  	_ =	shalt  }
0x4e: {  	_ =	shalt  }
0x4f: {  	_ =	shalt  }
0x50: {  	_ =	shalt  }
0x51: {  	_ =	shalt  }
0x52: {  	_ =	shalt  }
0x53: {  	_ =	shalt  }
0x54: {  	_ =	shalt  }
0x55: {  	_ =	shalt  }
0x56: {  	_ =	shalt  }
0x57: {  	_ =	shalt  }
0x58: {  	_ =	shalt  }
0x59: {  	_ =	shalt  }
0x5a: {  	_ =	shalt  }
0x5b: {  	_ =	shalt  }
0x5c: {  	_ =	shalt  }
0x5d: {  	_ =	shalt  }
0x5e: {  	_ =	shalt  }
0x5f: {  	_ =	shalt  }
0x60: {  	_ =	shalt  }
0x61: {  	_ =	shalt  }
0x62: {  	_ =	shalt  }
0x63: {  	_ =	shalt  }
0x64: {  	_ =	shalt  }
0x65: {  	_ =	shalt  }
0x66: {  	_ =	shalt  }
0x67: {  	_ =	shalt  }
0x68: {  	_ =	shalt  }
0x69: {  	_ =	shalt  }
0x6a: {  	_ =	shalt  }
0x6b: {  	_ =	shalt  }
0x6c: {  	_ =	shalt  }
0x6d: {  	_ =	shalt  }
0x6e: {  	_ =	shalt  }
0x6f: {  	_ =	shalt  }
0x70: {  	_ =	shalt  }
0x71: {  	_ =	shalt  }
0x72: {  	_ =	shalt  }
0x73: {  	_ =	shalt  }
0x74: {  	_ =	shalt  }
0x75: {  	_ =	shalt  }
0x76: {  	_ =	shalt  }
0x77: {  	_ =	shalt  }
0x78: {  	_ =	shalt  }
0x79: {  	_ =	shalt  }
0x7a: {  	_ =	shalt  }
0x7b: {  	_ =	shalt  }
0x7c: {  	_ =	shalt  }
0x7d: {  	_ =	shalt  }
0x7e: {  	_ =	shalt  }
0x7f: {  	_ =	shalt  }
0x80: {  	_ =	shalt  }
0x81: {  	_ =	shalt  }
0x82: {  	_ =	shalt  }
0x83: {  	_ =	shalt  }
0x84: {  	_ =	shalt  }
0x85: {  	_ =	shalt  }
0x86: {  	_ =	shalt  }
0x87: {  	_ =	shalt  }
.Lfunc_end0:
.L_simem_size_0:
called_computation.2_lowered:
.L_overlay_start_0:
0x88: {  	s2 =	sld [smem:$0x3FD9]  }
0x89: {  	s3 =	sld [smem:$0x3FFE];
	_ =	sdelay $0x1  }
0x8a: {  	s1 =	srdreg.scid  }
0x8b: {  	s0 =	sand.u32 $0x1, s1  }
0x8c: {  	s17 =	sshll.u32 s0, $0xA;
	s2 =	sadd.s32 s3, s2  }
0x8d: {  	s2 =	sadd.s32 s2, s17  }
0x8e: {  	[smem:$0x3FC0] =	sst s2  }
0x8f: {  	_ = 	snop  }
0x90: {  	s2 =	sld [smem:$0x3FD0];
	(tm) =	ssettm $0x1  }
0x91: {  	s18 =	sld [smem:$0x3FFB];
	_ =	sdelay $0x3  }
0x92: {  	_ =	strace s18  }
0x93: {  	s3 =	sld [smem:$0x3FFC];
	_ =	sdelay $0x3  }
0x94: {  	_ =	strace s3  }
0x95: {  	s3 =	sld [smem:$0x3FFD];
	_ =	sdelay $0x3  }
0x96: {  	_ =	strace s3  }
0x97: {  	_ =	strace $0x8FFFFFFF  }
0x98: {  	s19 =	sld [smem:$0x3FDB];
	_ =	sdelay $0x1  }
0x99: {  	s4 =	simm.s32 $_scs_section_size  }
0x9a: {  	s5 =	simm.s32 $_size__tile_overlayer_lowered;
	s6 =	simm.s32 $_tile_overlayer_lowered  }
0x9b: {  	s22 =	simm.s32 $0x1BFF;
	s21 =	sshll.u32 s6, $0x1;
	s3 =	sadd.s32 s4, s19  }
0x9c: {  	s7 =	simm.s32 $0x0;
	s20 =	sshll.u32 s5, $0x1;
	s5 =	sadd.s32 s21, s3  }
0x9d: {  	[timem:s7], [sflag:s22] =	dma.local [hbm:s5], s20  }
0x9e: {  	_ =	swait.ge [sflag:s22], s20  }
0x9f: {  	s4 =	ssub.s32 $0x0, s20;
	[sflag:s22] =	ssyncset.done $0x0  }
0xa0: {  	[sflag:s22] =	ssyncadd.s32 s4;
	_ =	sdelay $0x1  }
0xa1: {  	s23 =	simm.s32 $0x1B8B  }
0xa2: {  	_ =	swait.ge [sflag:s23], $0x1  }
0xa3: {  	[sflag:s23] =	ssyncset.done $0x0  }
0xa4: {  	s25 =	simm.s32 $0x1B8E;
	s24 =	sld [smem:$0x3FFE];
	[sflag:s23] =	ssyncadd.s32 $0xFFFFFFFF  }
0xa5: {  	s26 =	simm.s32 $execute0_lowered;
	[smem:$0x3FD2] =	sst s25  }
0xa6: {  	s5 =	sshll.u32 s26, $0x1;
	_ =	strace $0x8000004C;
	[dreg:$0x1] =	wrdreg $0xFFFFFFFF  }
0xa7: {  	s28 =	simm.s32 $_size_execute0_lowered;
	s3 =	sadd.s32 s3, s5;
	[dreg:$0x0] =	wrdreg $0x0  }
0xa8: {  	s5 =	sshll.u32 s28, $0x1;
	[dreg:$0x2] =	wrdreg s3  }
0xa9: {  	[dreg:$0x3] =	wrdreg s5  }
0xaa: {  	[dreg:$0x4] =	wrdreg $0xC0  }
0xab: {  	_ =	task [dreg:s7], $0x5FFFF  }
0xac: {  	[dreg:$0x1] =	wrdreg $0xFFFFFFFF  }
0xad: {  	[dreg:$0x0] =	wrdreg $0x60  }
0xae: {  	[dreg:$0x2] =	wrdreg s24  }
0xaf: {  	[dreg:$0x3] =	wrdreg s2  }
0xb0: {  	[dreg:$0x4] =	wrdreg $0x81000  }
0xb1: {  	[dreg:$0x5] =	wrdreg $0x9  }
0xb2: {  	_ =	task.clear_ibuf [dreg:s7], $0x6FFFF;
	_ =	strace $0x9000004C  }
0xb3: {  	s29 =	simm.s32 $0x9;
	_ =	strace $0x8000004E  }
0xb4: {  	_ =	swait.ge [sflag:s29], $0x1  }
0xb5: {  	[sflag:s29] =	ssyncadd.s32 $0xFFFFFFFF  }
0xb6: {  	_ =	strace $0x9000004E  }
0xb7: {  	_ =	sfence  }
0xb8: {  	s30 =	sld [smem:$0x0];
	_ =	sdelay $0x2  }
0xb9: {  	s31 =	sshll.u32 s1, $0xD;
	s1 =	sshrl.u32 s1, $0x2  }
0xba: {  	s3 =	sand.u32 $0x4000, s31;
	s1 =	sadd.s32 s1, s30  }
0xbb: {  	s0 =	sor.u32 s3, s0;
	s1 =	sshll.u32 s1, $0x11  }
0xbc: {  	s0 =	sor.u32 s1, s0  }
0xbd: {  	s0 =	sadd.s32 $0x8F2B, s0  }
0xbe: {  	[sflag:s0] =	ssyncadd.remote.s32 $0x1  }
0xbf: {  	_ =	sfence.sel $0xFFFF  }
0xc0: {  	[dreg:$0x0] =	wrdreg $0xFFFFFFFF;
	(pc) =	sbr.abs _section_cstart, $3  }
0xc1: {  	[dreg:$0x1] =	wrdreg $0xFFFFFFFF  }
0xc2: {  	_ =	task.clear_ibuf [dreg:s7], $0x2FFFF;
	_ =	strace $0x9FFFFFFF  }
0xc3: {  	(tm) =	ssettm $0x7FFFFFFF  }
tec
execute0_lowered:
.L_overlay_start_1:
0x0: {  	(tag) =	ssettag $0x1  }
0x1: {  	s5 =	rddreg [dreg:$0x0]  }
0x2: {  	s11 =	rddreg [dreg:$0x1];
	s0 =	srdreg.scid  }
0x3: {  	s1 =	rddreg [dreg:$0x2];
	s2 =	stileid.u32  }
0x4: {  	s3 =	simm.s32 $0x0;
	s17 =	simm.s32 $0x100;
	s8 =	smul.u32 $0x14000, s2  }
0x5: {  	s18 =	simm.s32 $0x1;
	s21 =	simm.s32 $0x0;
	s9 =	smul.u32 $0x50000, s2  }
0x6: {  	s6 =	sand.u32 $0x1, s0;
	s0 =	rddreg [dreg:$0x3];
	s15 =	smul.u32 $0x510, s2  }
0x7: {  	[smem:$0x7FF] =	sst s3;
	s4 =	sadd.s32 $0xCC00, s5;
	s12 =	smul.u32 $0x5100, s6  }
0x8: {  	s19 =	sshll.u32 s2, $0x6;
	s7 =	smul.u32 $0x140000, s6;
	_ =	strace $0x8000004D  }
0x9: {  	s6 =	ssub.s32 $0x2, s6;
	s19 =	sor.u32 $0x1C02, s19;
	s30 =	sshrl.u32 s9, $0x2  }
0xa: {  	s31 =	sshrl.u32 s6, $0x1;
	s13 =	sadd.s32 s12, s5;
	s7 =	sadd.s32 s8, s7  }
0xb: {  	s14 =	ssub.s32 s6, s31;
	s16 =	sadd.s32 s12, s11;
	s7 =	sshrl.u32 s7, $0x3  }
0xc: {  	s13 =	sadd.s32 s15, s13;
	s11 =	smax.u32 s14, $0x1;
	s14 =	simm.s32 $0x4100  }
0xd: {  	s10 =	sadd.s32 s7, s5;
	s5 =	sadd.s32 s30, s1;
	s12 =	sadd.s32 $0x2A00, s13  }
0xe: {  	s13 =	sadd.s32 s15, s16;
	s15 =	simm.s32 $0x2;
	s16 =	simm.s32 $0x80  }
0xf: {  	s6 =	sadd.s32 $0x4000, s5;
	s7 =	sadd.s32 $0x8000, s5;
	s8 =	sadd.s32 $0xC000, s5  }
0x10: {  	v0 =	vimm.f32 $0.0e+00;
	s9 =	sadd.s32 $0x10000, s5;
	s10 =	sadd.s32 $0x34C00, s10;
	s20 =	sshrl.u32 s5, $0x3  }
.LBB2_1:
0x11: {  	s22 =	simm.s32 $0x0;
	s23 =	simm.s32 $0x200  }
.LBB2_2:
0x12: {  	p0 =	sne.s32 s23, $0xFE00;
	[tilespmem:s22+$0x4170] =	vst v0  }
0x13: {  	[tilespmem:s22+$0x4100] =	vst v0  }
0x14: {  	[tilespmem:s22+$0x4110] =	vst v0  }
.Ltmp0:
0x15: {  	[tilespmem:s22+$0x4120] =	vst v0;
	(pc) =	sbr.rel @p0 .LBB2_2-.Ltmp0, $4  }
0x16: {  	[tilespmem:s22+$0x4130] =	vst v0  }
0x17: {  	[tilespmem:s22+$0x4140] =	vst v0  }
0x18: {  	[tilespmem:s22+$0x4150] =	vst v0  }
0x19: {  	[tilespmem:s22+$0x4160] =	vst v0;
	s22 =	sshra.s32 s23, $0x2;
	s23 =	sadd.s32 $0x200, s23  }
0x1a: {  	[tilespmem:s22+$0x4170] =	vst v0  }
0x1b: {  	[tilespmem:s22+$0x4100] =	vst v0  }
0x1c: {  	[tilespmem:s22+$0x4110] =	vst v0  }
0x1d: {  	[tilespmem:s22+$0x4120] =	vst v0  }
0x1e: {  	[tilespmem:s22+$0x4130] =	vst v0  }
0x1f: {  	[tilespmem:s22+$0x4140] =	vst v0  }
0x20: {  	[tilespmem:s22+$0x4150] =	vst v0  }
0x21: {  	[tilespmem:s22+$0x4160] =	vst v0  }
0x22: {  	[spmem:s5] =	stream.linear.scatter [tilespmem:s14], [sflag:$0x2], $0x4000, $0x38;
	[tilespmem:$0x1C100] =	vst v63  }
0x23: {  	_ =	swait.ge [sflag:s15], $0x4000  }
0x24: {  	[sflag:s15] =	ssyncset.done $0x0  }
0x25: {  	[sflag:s15] =	ssyncadd.s32 $0xFFFFC000  }
0x26: {  	[spmem:s6] =	stream.linear.scatter [tilespmem:s14], [sflag:$0x2], $0x4000, $0x38;
	[tilespmem:$0x1C100] =	vst v63  }
0x27: {  	_ =	swait.ge [sflag:s15], $0x4000  }
0x28: {  	[sflag:s15] =	ssyncset.done $0x0  }
0x29: {  	[sflag:s15] =	ssyncadd.s32 $0xFFFFC000  }
0x2a: {  	[spmem:s7] =	stream.linear.scatter [tilespmem:s14], [sflag:$0x2], $0x4000, $0x38;
	[tilespmem:$0x1C100] =	vst v63  }
0x2b: {  	_ =	swait.ge [sflag:s15], $0x4000  }
0x2c: {  	[sflag:s15] =	ssyncset.done $0x0  }
0x2d: {  	[sflag:s15] =	ssyncadd.s32 $0xFFFFC000  }
0x2e: {  	[spmem:s8] =	stream.linear.scatter [tilespmem:s14], [sflag:$0x2], $0x4000, $0x38;
	[tilespmem:$0x1C100] =	vst v63  }
0x2f: {  	_ =	swait.ge [sflag:s15], $0x4000  }
0x30: {  	[sflag:s15] =	ssyncset.done $0x0  }
0x31: {  	[sflag:s15] =	ssyncadd.s32 $0xFFFFC000  }
0x32: {  	[spmem:s9] =	stream.linear.scatter [tilespmem:s14], [sflag:$0x2], $0x4000, $0x38;
	[tilespmem:$0x1C100] =	vst v63  }
0x33: {  	_ =	swait.ge [sflag:s15], $0x4000  }
0x34: {  	[sflag:s15] =	ssyncset.done $0x0  }
0x35: {  	[sflag:s15] =	ssyncadd.s32 $0xFFFFC000  }
0x36: {  	s30 =	sadd.s32 $0x0, s13;
	[bflag:$0x0] =	sbarrier.arrive $0xFFFF  }
0x37: {  	[tilespmem:s3], [sflag:$0x2] =	stream.linear.gather [hbm4b:s30+s3], $0x80, $0x38;
	[tilespmem:$0x1C100] =	vst v63  }
0x38: {  	_ =	swait.ge [sflag:s15], $0x80  }
0x39: {  	[sflag:s15] =	ssyncset.done $0x0  }
0x3a: {  	s31 =	sadd.s32 $0x0, s12;
	[sflag:s15] =	ssyncadd.s32 $0xFFFFFF80  }
0x3b: {  	[tilespmem:s16], [sflag:$0x2] =	stream.linear.gather [hbm4b:s31+s3], $0x80, $0x38;
	[tilespmem:$0x1C100] =	vst v63  }
0x3c: {  	_ =	swait.ge [sflag:s15], $0x80  }
0x3d: {  	[sflag:s15] =	ssyncset.done $0x0  }
0x3e: {  	[sflag:s15] =	ssyncadd.s32 $0xFFFFFF80  }
0x3f: {  	[tilespmem:s17], [sflag:$0x1] =	stream.indirect.gather [hbm4b:s4+s16], $0x80, s3, s16, $0xb8;
	[tilespmem:$0x1C100] =	vst v63  }
0x40: {  	_ =	swait.ge [sflag:s18], $0x4000  }
0x41: {  	[sflag:s18] =	ssyncset.done $0x0  }
0x42: {  	[sflag:s18] =	ssyncadd.s32 $0xFFFFC000  }
0x43: {  	[spmem:s1] =	stream.indirect.scatter.add.f32 [tilespmem:s17], [sflag:$0x2], $0x80, s16, s16, $0xb8;
	[tilespmem:$0x1C100] =	vst v63  }
0x44: {  	_ =	swait.ge [sflag:s15], $0x4000  }
0x45: {  	s22 =	simm.s32 $0x10;
	s23 =	simm.s32 $0x20;
	[sflag:s15] =	ssyncset.done $0x0  }
.LBB2_4:
0x46: {  	s24 =	sadd.s32 s22, s13  }
0x47: {  	[sflag:s15] =	ssyncadd.s32 $0xFFFFC000;
	s25 =	smov.u32 s23;
	s26 =	sadd.s32 $0x10, s23  }
0x48: {  	[tilespmem:s3], [sflag:$0x2] =	stream.linear.gather [hbm4b:s24+s3], $0x80, $0x38;
	[tilespmem:$0x1C100] =	vst v63  }
0x49: {  	p0 =	sne.s32 s23, $0x500;
	_ =	swait.ge [sflag:s15], $0x80  }
0x4a: {  	[sflag:s15] =	ssyncset.done $0x0  }
0x4b: {  	s23 =	sadd.s32 s22, s12;
	s22 =	smov.u32 s25;
	[sflag:s15] =	ssyncadd.s32 $0xFFFFFF80  }
0x4c: {  	[tilespmem:s16], [sflag:$0x2] =	stream.linear.gather [hbm4b:s23+s3], $0x80, $0x38;
	[tilespmem:$0x1C100] =	vst v63  }
0x4d: {  	_ =	swait.ge [sflag:s15], $0x80  }
0x4e: {  	[sflag:s15] =	ssyncset.done $0x0  }
0x4f: {  	[sflag:s15] =	ssyncadd.s32 $0xFFFFFF80  }
0x50: {  	[tilespmem:s17], [sflag:$0x1] =	stream.indirect.gather [hbm4b:s4+s16], $0x80, s3, s16, $0xb8;
	[tilespmem:$0x1C100] =	vst v63  }
0x51: {  	_ =	swait.ge [sflag:s18], $0x4000  }
.Ltmp1:
0x52: {  	[sflag:s18] =	ssyncset.done $0x0;
	(pc) =	sbr.rel @p0 .LBB2_4-.Ltmp1, $4  }
0x53: {  	[sflag:s18] =	ssyncadd.s32 $0xFFFFC000  }
0x54: {  	[spmem:s1] =	stream.indirect.scatter.add.f32 [tilespmem:s17], [sflag:$0x2], $0x80, s16, s16, $0xb8;
	[tilespmem:$0x1C100] =	vst v63  }
0x55: {  	_ =	swait.ge [sflag:s15], $0x4000  }
0x56: {  	s23 =	smov.u32 s26;
	[sflag:s15] =	ssyncset.done $0x0  }
0x57: {  	s23 =	sadd.s32 s22, s13;
	[sflag:s15] =	ssyncadd.s32 $0xFFFFC000  }
0x58: {  	[tilespmem:s3], [sflag:$0x2] =	stream.linear.gather [hbm4b:s23+s3], $0x80, $0x38;
	[tilespmem:$0x1C100] =	vst v63  }
0x59: {  	_ =	swait.ge [sflag:s15], $0x80  }
0x5a: {  	[sflag:s15] =	ssyncset.done $0x0  }
0x5b: {  	s31 =	sadd.s32 s22, s12;
	[sflag:s15] =	ssyncadd.s32 $0xFFFFFF80  }
0x5c: {  	[tilespmem:s16], [sflag:$0x2] =	stream.linear.gather [hbm4b:s31+s3], $0x80, $0x38;
	[tilespmem:$0x1C100] =	vst v63  }
0x5d: {  	_ =	swait.ge [sflag:s15], $0x80  }
0x5e: {  	[sflag:s15] =	ssyncset.done $0x0  }
0x5f: {  	[sflag:s15] =	ssyncadd.s32 $0xFFFFFF80  }
0x60: {  	[tilespmem:s17], [sflag:$0x1] =	stream.indirect.gather [hbm4b:s4+s16], $0x80, s3, s16, $0xb8;
	[tilespmem:$0x1C100] =	vst v63  }
0x61: {  	_ =	swait.ge [sflag:s18], $0x4000  }
0x62: {  	[sflag:s18] =	ssyncset.done $0x0  }
0x63: {  	[sflag:s18] =	ssyncadd.s32 $0xFFFFC000  }
0x64: {  	[spmem:s1] =	stream.indirect.scatter.add.f32 [tilespmem:s17], [sflag:$0x2], $0x80, s16, s16, $0xb8;
	[tilespmem:$0x1C100] =	vst v63  }
0x65: {  	_ =	swait.ge [sflag:s15], $0x4000  }
0x66: {  	s21 =	sadd.s32 $0x1, s21;
	[sflag:s15] =	ssyncset.done $0x0  }
0x67: {  	p0 =	sne.s32 s21, s11;
	[sflag:s15] =	ssyncadd.s32 $0xFFFFC000  }
.Ltmp2:
0x68: {  	[bflag:$0x0] =	sbarrier.arrive $0xFFFF;
	(pc) =	sbr.rel @p0 .LBB2_1-.Ltmp2, $4  }
0x69: {  	[hbm:s10], [sflag:s19] =	dma.local [spmem:s20], $0x2800  }
0x6a: {  	_ =	swait.ge [sflag:s15], $0x2800  }
0x6b: {  	[sflag:s15] =	ssyncset.done $0x0  }
0x6c: {  	[sflag:s15] =	ssyncadd.s32 $0xFFFFD800  }
0x6d: {  	_ =	sfence.sel $0x180000  }
0x6e: {  	[bflag:$0x0] =	sbarrier.arrive $0xFFFF  }
0x6f: {  	p0 =	sne.s32 s2, $0x0;
	_ =	strace $0x9000004D  }
0x70: {  	s0 =	sadd.s32 @!p0 $0x100000, s0;
	[bflag:$0x2] =	sbarrier.arrive $0xFFFF  }
0x71: {  	[sflag:s0] =	ssyncadd.tile.s32 @!p0 $0x1;
	_ =	shalt  }
.Lfunc_end2:
_tile_overlayer_lowered:
.L_overlay_start_2:
0x72: {  	(tag) =	ssettag $0x2  }
0x73: {  	s0 =	rddreg [dreg:$0x0];
	s2 =	stileid.u32  }
0x74: {  	s1 =	rddreg [dreg:$0x1];
	p0 =	sne.s32 s2, $0x0  }
0x75: {  	s3 =	rddreg [dreg:$0x2];
	[bflag:$0x3] =	sbarrier.arrive $0xFFFF;
	s2 =	simm.s32 @!p0 $0x1C02  }
0x76: {  	[timem:s3], [sflag:s2] =	dma.local @!p0 [hbm:s0], s1  }
0x77: {  	s0 =	simm.s32 @!p0 $0x2  }
0x78: {  	_ =	swait.ge @!p0 [sflag:s0], s1  }
0x79: {  	s1 =	ssub.s32 @!p0 $0x0, s1;
	[sflag:s0] =	ssyncset.done @!p0 $0x0  }
0x7a: {  	[sflag:s0] =	ssyncadd.s32 @!p0 s1  }
0x7b: {  	[bflag:$0x3] =	sbarrier.arrive $0xFFFF  }
0x7c: {  	_ =	shalt  }

// kernel: kernel.19.cloned.1.call-start
scs
__scs_entry_jumppad:
0x0: {  	(pc) =	sbr.rel $0x88, $3  }
0x1: {  	(tag) =	ssettag $0x0;
	lr =	simm.s32 $0x1  }
0x2: {  	[smem:$0x3F99] =	sst lr;
	_ =	strace $0xD0000000  }
0x3: {  	_ = 	snop  }
0x4: {  	_ = 	snop  }
0x5: {  	_ = 	snop  }
0x6: {  	_ = 	snop  }
0x7: {  	_ = 	snop  }
__scs_overlays_trampoline_lowered:
0x8: {  	[smem:$0x3FA8] =	sst s0  }
0x9: {  	[smem:$0x3FA9] =	sst s1  }
0xa: {  	[smem:$0x3FAA] =	sst s2  }
0xb: {  	[smem:$0x3FAB] =	sst s3  }
0xc: {  	[smem:$0x3FAC] =	sst s4  }
0xd: {  	[smem:$0x3FAD] =	sst s5  }
0xe: {  	[smem:$0x3FAE] =	sst s6  }
0xf: {  	[smem:$0x3FAF] =	sst s7  }
0x10: {  	[smem:$0x3FB0] =	sst s8  }
0x11: {  	[smem:$0x3FB1] =	sst s9;
	s0 =	simm.s32 @!p0 $0x0  }
0x12: {  	s1 =	sld [smem:$0x3F97];
	s0 =	simm.s32 @p0 $0x1  }
0x13: {  	[smem:$0x3FB2] =	sst s0;
	s0 =	simm.s32 @!p1 $0x0  }
0x14: {  	s2 =	sld [smem:$0x3F96];
	s0 =	simm.s32 @p1 $0x1  }
0x15: {  	[smem:$0x3FB3] =	sst s0;
	s0 =	simm.s32 @!p2 $0x0  }
0x16: {  	s3 =	sld [smem:$0x3FDB];
	s0 =	simm.s32 @p2 $0x1  }
0x17: {  	s4 =	simm.s32 $0x1BF5;
	[smem:$0x3FB5] =	sst s0  }
0x18: {  	s0 =	sld [smem:$0x3F98];
	_ =	swait.ge [sflag:s4], $0x0  }
0x19: {  	s7 =	sld [smem:$0x3F99]  }
0x1a: {  	s8 =	sadd.s32 $0xFFFFE003, lr  }
0x1b: {  	s9 =	sadd.s32 $0xFFFFFEF7, lr;
	s5 =	simm.s32 $0xFFFFFFFF;
	p2 =	slt.u32 s8, $0xFFFFF086  }
0x1c: {  	p1 =	slt.u32 s9, $0xF7A;
	s5 =	simm.s32 @!p2 $0x0  }
0x1d: {  	s5 =	simm.s32 @p1 $0x1;
	p0 =	seq.s32 s7, s2  }
0x1e: {  	s7 =	smul.u32 @!p0 $0xF7A, s2;
	p2 =	seq.s32 @!p0 s5, $0x0  }
0x1f: {  	s9 =	smul.u32 $0xF7A, s1;
	s8 =	simm.s32 @!p0 $0x1BF5;
	p2 =	por !p2, p0  }
0x20: {  	[sflag:s8] =	ssyncset.s32 @!p0 $0xFFFFF086;
	s6 =	sadd.s32 @!p0 s3, s7;
	s7 =	simm.s32 @!p0 $0x108  }
0x21: {  	s3 =	sadd.s32 s3, s9;
	s6 =	sadd.s32 @!p0 $0x88, s6;
	s7 =	simm.s32 @p2 $0x1082  }
0x22: {  	[simem:s7], [sflag:s8] =	dma.local @!p0 [hbm:s6], $0xF7A  }
0x23: {  	s9 =	sor.u32 $0xD0000000, s2;
	s6 =	simm.s32 $0x108;
	_ =	swait.ge @!p0 [sflag:s8], $0x0  }
0x24: {  	s3 =	sadd.s32 $0x88, s3;
	s6 =	simm.s32 @!p1 $0x1082;
	[sflag:s4] =	ssyncset.s32 $0xFFFFF086  }
0x25: {  	[simem:s6], [sflag:s4] =	dma.local [hbm:s3], $0xF7A  }
0x26: {  	[smem:$0x3F99] =	sst s1;
	(tag) =	ssettag s2;
	_ =	strace s9  }
0x27: {  	s1 =	sld [smem:$0x3FA9]  }
0x28: {  	s2 =	sld [smem:$0x3FAA]  }
0x29: {  	s4 =	sld [smem:$0x3FAC]  }
0x2a: {  	p0 =	seq.s32 s5, $0x0;
	s5 =	sld [smem:$0x3FAD]  }
0x2b: {  	s6 =	sld [smem:$0x3FAE]  }
0x2c: {  	s7 =	sld [smem:$0x3FAF]  }
0x2d: {  	s3 =	simm.s32 $0x108;
	s8 =	sld [smem:$0x3FB0]  }
0x2e: {  	s3 =	simm.s32 @!p0 $0x1082;
	s9 =	sld [smem:$0x3FB1]  }
0x2f: {  	lr =	sadd.s32 s0, s3;
	s0 =	sld [smem:$0x3FA8]  }
0x30: {  	s3 =	sld [smem:$0x3FAB]  }
0x31: {  	[smem:$0x3FB4] =	sst s10  }
0x32: {  	s10 =	sld [smem:$0x3FB2];
	_ =	sdelay $0x3  }
0x33: {  	p0 =	seq.s32 s10, $0x1;
	s10 =	sld [smem:$0x3FB4];
	_ =	sdelay $0x3  }
0x34: {  	[smem:$0x3FB4] =	sst s10  }
0x35: {  	s10 =	sld [smem:$0x3FB3];
	_ =	sdelay $0x3  }
0x36: {  	p1 =	seq.s32 s10, $0x1;
	s10 =	sld [smem:$0x3FB4];
	_ =	sdelay $0x3  }
0x37: {  	[smem:$0x3FB4] =	sst s10  }
0x38: {  	s10 =	sld [smem:$0x3FB5]  }
0x39: {  	_ = 	snop;
	(pc) =	sbr.ind lr, $3  }
0x3a: {  	_ = 	snop  }
0x3b: {  	_ = 	snop  }
0x3c: {  	p2 =	seq.s32 s10, $0x1;
	s10 =	sld [smem:$0x3FB4]  }
0x3d: {  	_ =	shalt  }
0x3e: {  	_ =	shalt  }
0x3f: {  	_ =	shalt  }
0x40: {  	_ =	shalt  }
0x41: {  	_ =	shalt  }
0x42: {  	_ =	shalt  }
0x43: {  	_ =	shalt  }
0x44: {  	_ =	shalt  }
0x45: {  	_ =	shalt  }
0x46: {  	_ =	shalt  }
0x47: {  	_ =	shalt  }
0x48: {  	_ =	shalt  }
0x49: {  	_ =	shalt  }
0x4a: {  	_ =	shalt  }
0x4b: {  	_ =	shalt  }
0x4c: {  	_ =	shalt  }
0x4d: {  	_ =	shalt  }
0x4e: {  	_ =	shalt  }
0x4f: {  	_ =	shalt  }
0x50: {  	_ =	shalt  }
0x51: {  	_ =	shalt  }
0x52: {  	_ =	shalt  }
0x53: {  	_ =	shalt  }
0x54: {  	_ =	shalt  }
0x55: {  	_ =	shalt  }
0x56: {  	_ =	shalt  }
0x57: {  	_ =	shalt  }
0x58: {  	_ =	shalt  }
0x59: {  	_ =	shalt  }
0x5a: {  	_ =	shalt  }
0x5b: {  	_ =	shalt  }
0x5c: {  	_ =	shalt  }
0x5d: {  	_ =	shalt  }
0x5e: {  	_ =	shalt  }
0x5f: {  	_ =	shalt  }
0x60: {  	_ =	shalt  }
0x61: {  	_ =	shalt  }
0x62: {  	_ =	shalt  }
0x63: {  	_ =	shalt  }
0x64: {  	_ =	shalt  }
0x65: {  	_ =	shalt  }
0x66: {  	_ =	shalt  }
0x67: {  	_ =	shalt  }
0x68: {  	_ =	shalt  }
0x69: {  	_ =	shalt  }
0x6a: {  	_ =	shalt  }
0x6b: {  	_ =	shalt  }
0x6c: {  	_ =	shalt  }
0x6d: {  	_ =	shalt  }
0x6e: {  	_ =	shalt  }
0x6f: {  	_ =	shalt  }
0x70: {  	_ =	shalt  }
0x71: {  	_ =	shalt  }
0x72: {  	_ =	shalt  }
0x73: {  	_ =	shalt  }
0x74: {  	_ =	shalt  }
0x75: {  	_ =	shalt  }
0x76: {  	_ =	shalt  }
0x77: {  	_ =	shalt  }
0x78: {  	_ =	shalt  }
0x79: {  	_ =	shalt  }
0x7a: {  	_ =	shalt  }
0x7b: {  	_ =	shalt  }
0x7c: {  	_ =	shalt  }
0x7d: {  	_ =	shalt  }
0x7e: {  	_ =	shalt  }
0x7f: {  	_ =	shalt  }
0x80: {  	_ =	shalt  }
0x81: {  	_ =	shalt  }
0x82: {  	_ =	shalt  }
0x83: {  	_ =	shalt  }
0x84: {  	_ =	shalt  }
0x85: {  	_ =	shalt  }
0x86: {  	_ =	shalt  }
0x87: {  	_ =	shalt  }
.Lfunc_end0:
.L_simem_size_0:
called_computation.3_lowered:
.L_overlay_start_0:
0x88: {  	s2 =	sld [smem:$0x3FD9]  }
0x89: {  	s3 =	sld [smem:$0x3FFE];
	_ =	sdelay $0x1  }
0x8a: {  	s1 =	srdreg.scid  }
0x8b: {  	s0 =	sand.u32 $0x1, s1  }
0x8c: {  	s17 =	sshll.u32 s0, $0xA;
	s2 =	sadd.s32 s3, s2  }
0x8d: {  	s2 =	sadd.s32 s2, s17  }
0x8e: {  	[smem:$0x3FC0] =	sst s2  }
0x8f: {  	_ = 	snop  }
0x90: {  	s2 =	sld [smem:$0x3FD0];
	(tm) =	ssettm $0x1  }
0x91: {  	s18 =	sld [smem:$0x3FFB];
	_ =	sdelay $0x3  }
0x92: {  	_ =	strace s18  }
0x93: {  	s3 =	sld [smem:$0x3FFC];
	_ =	sdelay $0x3  }
0x94: {  	_ =	strace s3  }
0x95: {  	s3 =	sld [smem:$0x3FFD];
	_ =	sdelay $0x3  }
0x96: {  	_ =	strace s3  }
0x97: {  	_ =	strace $0x8FFFFFFF  }
0x98: {  	s19 =	sld [smem:$0x3FDB];
	_ =	sdelay $0x1  }
0x99: {  	s4 =	simm.s32 $_scs_section_size  }
0x9a: {  	s5 =	simm.s32 $_size__tile_overlayer_lowered;
	s6 =	simm.s32 $_tile_overlayer_lowered  }
0x9b: {  	s22 =	simm.s32 $0x1BFF;
	s21 =	sshll.u32 s6, $0x1;
	s3 =	sadd.s32 s4, s19  }
0x9c: {  	s7 =	simm.s32 $0x0;
	s20 =	sshll.u32 s5, $0x1;
	s5 =	sadd.s32 s21, s3  }
0x9d: {  	[timem:s7], [sflag:s22] =	dma.local [hbm:s5], s20  }
0x9e: {  	_ =	swait.ge [sflag:s22], s20  }
0x9f: {  	s4 =	ssub.s32 $0x0, s20;
	[sflag:s22] =	ssyncset.done $0x0  }
0xa0: {  	[sflag:s22] =	ssyncadd.s32 s4;
	_ =	sdelay $0x1  }
0xa1: {  	s23 =	simm.s32 $0x1B8B  }
0xa2: {  	_ =	swait.ge [sflag:s23], $0x1  }
0xa3: {  	[sflag:s23] =	ssyncset.done $0x0  }
0xa4: {  	s25 =	simm.s32 $0x1B8E;
	s24 =	sld [smem:$0x3FFE];
	[sflag:s23] =	ssyncadd.s32 $0xFFFFFFFF  }
0xa5: {  	s26 =	simm.s32 $execute0_lowered;
	[smem:$0x3FD2] =	sst s25  }
0xa6: {  	s5 =	sshll.u32 s26, $0x1;
	_ =	strace $0x8000004F;
	[dreg:$0x1] =	wrdreg $0xFFFFFFFF  }
0xa7: {  	s28 =	simm.s32 $_size_execute0_lowered;
	s3 =	sadd.s32 s3, s5;
	[dreg:$0x0] =	wrdreg $0x0  }
0xa8: {  	s5 =	sshll.u32 s28, $0x1;
	[dreg:$0x2] =	wrdreg s3  }
0xa9: {  	[dreg:$0x3] =	wrdreg s5  }
0xaa: {  	[dreg:$0x4] =	wrdreg $0xC0  }
0xab: {  	_ =	task [dreg:s7], $0x5FFFF  }
0xac: {  	[dreg:$0x1] =	wrdreg $0xFFFFFFFF  }
0xad: {  	[dreg:$0x0] =	wrdreg $0x60  }
0xae: {  	[dreg:$0x2] =	wrdreg s24  }
0xaf: {  	[dreg:$0x3] =	wrdreg s2  }
0xb0: {  	[dreg:$0x4] =	wrdreg $0x81000  }
0xb1: {  	[dreg:$0x5] =	wrdreg $0x9  }
0xb2: {  	_ =	task.clear_ibuf [dreg:s7], $0x6FFFF;
	_ =	strace $0x9000004F  }
0xb3: {  	s29 =	simm.s32 $0x9;
	_ =	strace $0x80000051  }
0xb4: {  	_ =	swait.ge [sflag:s29], $0x1  }
0xb5: {  	[sflag:s29] =	ssyncadd.s32 $0xFFFFFFFF  }
0xb6: {  	_ =	strace $0x90000051  }
0xb7: {  	_ =	sfence  }
0xb8: {  	s30 =	sld [smem:$0x0];
	_ =	sdelay $0x2  }
0xb9: {  	s31 =	sshll.u32 s1, $0xD;
	s1 =	sshrl.u32 s1, $0x2  }
0xba: {  	s3 =	sand.u32 $0x4000, s31;
	s1 =	sadd.s32 s1, s30  }
0xbb: {  	s0 =	sor.u32 s3, s0;
	s1 =	sshll.u32 s1, $0x11  }
0xbc: {  	s0 =	sor.u32 s1, s0  }
0xbd: {  	s0 =	sadd.s32 $0x8F2B, s0  }
0xbe: {  	[sflag:s0] =	ssyncadd.remote.s32 $0x1  }
0xbf: {  	_ =	sfence.sel $0xFFFF  }
0xc0: {  	[dreg:$0x0] =	wrdreg $0xFFFFFFFF;
	(pc) =	sbr.abs _section_cstart, $3  }
0xc1: {  	[dreg:$0x1] =	wrdreg $0xFFFFFFFF  }
0xc2: {  	_ =	task.clear_ibuf [dreg:s7], $0x2FFFF;
	_ =	strace $0x9FFFFFFF  }
0xc3: {  	(tm) =	ssettm $0x7FFFFFFF  }
tec
execute0_lowered:
.L_overlay_start_1:
0x0: {  	(tag) =	ssettag $0x1  }
0x1: {  	s5 =	rddreg [dreg:$0x0]  }
0x2: {  	s11 =	rddreg [dreg:$0x1];
	s0 =	srdreg.scid  }
0x3: {  	s1 =	rddreg [dreg:$0x2];
	s2 =	stileid.u32  }
0x4: {  	s3 =	simm.s32 $0x0;
	s17 =	simm.s32 $0x100;
	s8 =	smul.u32 $0x14000, s2  }
0x5: {  	s18 =	simm.s32 $0x1;
	s21 =	simm.s32 $0x0;
	s9 =	smul.u32 $0x50000, s2  }
0x6: {  	s6 =	sand.u32 $0x1, s0;
	s0 =	rddreg [dreg:$0x3];
	s15 =	smul.u32 $0x510, s2  }
0x7: {  	[smem:$0x7FF] =	sst s3;
	s4 =	sadd.s32 $0xCC00, s5;
	s12 =	smul.u32 $0x5100, s6  }
0x8: {  	s19 =	sshll.u32 s2, $0x6;
	s7 =	smul.u32 $0x140000, s6;
	_ =	strace $0x80000050  }
0x9: {  	s6 =	ssub.s32 $0x2, s6;
	s19 =	sor.u32 $0x1C02, s19;
	s30 =	sshrl.u32 s9, $0x2  }
0xa: {  	s31 =	sshrl.u32 s6, $0x1;
	s13 =	sadd.s32 s12, s5;
	s7 =	sadd.s32 s8, s7  }
0xb: {  	s14 =	ssub.s32 s6, s31;
	s16 =	sadd.s32 s12, s11;
	s7 =	sshrl.u32 s7, $0x3  }
0xc: {  	s13 =	sadd.s32 s15, s13;
	s11 =	smax.u32 s14, $0x1;
	s14 =	simm.s32 $0x4100  }
0xd: {  	s10 =	sadd.s32 s7, s5;
	s5 =	sadd.s32 s30, s1;
	s12 =	sadd.s32 $0x2A00, s13  }
0xe: {  	s13 =	sadd.s32 s15, s16;
	s15 =	simm.s32 $0x2;
	s16 =	simm.s32 $0x80  }
0xf: {  	s6 =	sadd.s32 $0x4000, s5;
	s7 =	sadd.s32 $0x8000, s5;
	s8 =	sadd.s32 $0xC000, s5  }
0x10: {  	v0 =	vimm.f32 $0.0e+00;
	s9 =	sadd.s32 $0x10000, s5;
	s10 =	sadd.s32 $0x34C00, s10;
	s20 =	sshrl.u32 s5, $0x3  }
.LBB2_1:
0x11: {  	s22 =	simm.s32 $0x0;
	s23 =	simm.s32 $0x200  }
.LBB2_2:
0x12: {  	p0 =	sne.s32 s23, $0xFE00;
	[tilespmem:s22+$0x4170] =	vst v0  }
0x13: {  	[tilespmem:s22+$0x4100] =	vst v0  }
0x14: {  	[tilespmem:s22+$0x4110] =	vst v0  }
.Ltmp0:
0x15: {  	[tilespmem:s22+$0x4120] =	vst v0;
	(pc) =	sbr.rel @p0 .LBB2_2-.Ltmp0, $4  }
0x16: {  	[tilespmem:s22+$0x4130] =	vst v0  }
0x17: {  	[tilespmem:s22+$0x4140] =	vst v0  }
0x18: {  	[tilespmem:s22+$0x4150] =	vst v0  }
0x19: {  	[tilespmem:s22+$0x4160] =	vst v0;
	s22 =	sshra.s32 s23, $0x2;
	s23 =	sadd.s32 $0x200, s23  }
0x1a: {  	[tilespmem:s22+$0x4170] =	vst v0  }
0x1b: {  	[tilespmem:s22+$0x4100] =	vst v0  }
0x1c: {  	[tilespmem:s22+$0x4110] =	vst v0  }
0x1d: {  	[tilespmem:s22+$0x4120] =	vst v0  }
0x1e: {  	[tilespmem:s22+$0x4130] =	vst v0  }
0x1f: {  	[tilespmem:s22+$0x4140] =	vst v0  }
0x20: {  	[tilespmem:s22+$0x4150] =	vst v0  }
0x21: {  	[tilespmem:s22+$0x4160] =	vst v0  }
0x22: {  	[spmem:s5] =	stream.linear.scatter [tilespmem:s14], [sflag:$0x2], $0x4000, $0x38;
	[tilespmem:$0x1C100] =	vst v63  }
0x23: {  	_ =	swait.ge [sflag:s15], $0x4000  }
0x24: {  	[sflag:s15] =	ssyncset.done $0x0  }
0x25: {  	[sflag:s15] =	ssyncadd.s32 $0xFFFFC000  }
0x26: {  	[spmem:s6] =	stream.linear.scatter [tilespmem:s14], [sflag:$0x2], $0x4000, $0x38;
	[tilespmem:$0x1C100] =	vst v63  }
0x27: {  	_ =	swait.ge [sflag:s15], $0x4000  }
0x28: {  	[sflag:s15] =	ssyncset.done $0x0  }
0x29: {  	[sflag:s15] =	ssyncadd.s32 $0xFFFFC000  }
0x2a: {  	[spmem:s7] =	stream.linear.scatter [tilespmem:s14], [sflag:$0x2], $0x4000, $0x38;
	[tilespmem:$0x1C100] =	vst v63  }
0x2b: {  	_ =	swait.ge [sflag:s15], $0x4000  }
0x2c: {  	[sflag:s15] =	ssyncset.done $0x0  }
0x2d: {  	[sflag:s15] =	ssyncadd.s32 $0xFFFFC000  }
0x2e: {  	[spmem:s8] =	stream.linear.scatter [tilespmem:s14], [sflag:$0x2], $0x4000, $0x38;
	[tilespmem:$0x1C100] =	vst v63  }
0x2f: {  	_ =	swait.ge [sflag:s15], $0x4000  }
0x30: {  	[sflag:s15] =	ssyncset.done $0x0  }
0x31: {  	[sflag:s15] =	ssyncadd.s32 $0xFFFFC000  }
0x32: {  	[spmem:s9] =	stream.linear.scatter [tilespmem:s14], [sflag:$0x2], $0x4000, $0x38;
	[tilespmem:$0x1C100] =	vst v63  }
0x33: {  	_ =	swait.ge [sflag:s15], $0x4000  }
0x34: {  	[sflag:s15] =	ssyncset.done $0x0  }
0x35: {  	[sflag:s15] =	ssyncadd.s32 $0xFFFFC000  }
0x36: {  	s30 =	sadd.s32 $0x0, s13;
	[bflag:$0x0] =	sbarrier.arrive $0xFFFF  }
0x37: {  	[tilespmem:s3], [sflag:$0x2] =	stream.linear.gather [hbm4b:s30+s3], $0x80, $0x38;
	[tilespmem:$0x1C100] =	vst v63  }
0x38: {  	_ =	swait.ge [sflag:s15], $0x80  }
0x39: {  	[sflag:s15] =	ssyncset.done $0x0  }
0x3a: {  	s31 =	sadd.s32 $0x0, s12;
	[sflag:s15] =	ssyncadd.s32 $0xFFFFFF80  }
0x3b: {  	[tilespmem:s16], [sflag:$0x2] =	stream.linear.gather [hbm4b:s31+s3], $0x80, $0x38;
	[tilespmem:$0x1C100] =	vst v63  }
0x3c: {  	_ =	swait.ge [sflag:s15], $0x80  }
0x3d: {  	[sflag:s15] =	ssyncset.done $0x0  }
0x3e: {  	[sflag:s15] =	ssyncadd.s32 $0xFFFFFF80  }
0x3f: {  	[tilespmem:s17], [sflag:$0x1] =	stream.indirect.gather [hbm4b:s4+s16], $0x80, s3, s16, $0xb8;
	[tilespmem:$0x1C100] =	vst v63  }
0x40: {  	_ =	swait.ge [sflag:s18], $0x4000  }
0x41: {  	[sflag:s18] =	ssyncset.done $0x0  }
0x42: {  	[sflag:s18] =	ssyncadd.s32 $0xFFFFC000  }
0x43: {  	[spmem:s1] =	stream.indirect.scatter.add.f32 [tilespmem:s17], [sflag:$0x2], $0x80, s16, s16, $0xb8;
	[tilespmem:$0x1C100] =	vst v63  }
0x44: {  	_ =	swait.ge [sflag:s15], $0x4000  }
0x45: {  	s22 =	simm.s32 $0x10;
	s23 =	simm.s32 $0x20;
	[sflag:s15] =	ssyncset.done $0x0  }
.LBB2_4:
0x46: {  	s24 =	sadd.s32 s22, s13  }
0x47: {  	[sflag:s15] =	ssyncadd.s32 $0xFFFFC000;
	s25 =	smov.u32 s23;
	s26 =	sadd.s32 $0x10, s23  }
0x48: {  	[tilespmem:s3], [sflag:$0x2] =	stream.linear.gather [hbm4b:s24+s3], $0x80, $0x38;
	[tilespmem:$0x1C100] =	vst v63  }
0x49: {  	p0 =	sne.s32 s23, $0x500;
	_ =	swait.ge [sflag:s15], $0x80  }
0x4a: {  	[sflag:s15] =	ssyncset.done $0x0  }
0x4b: {  	s23 =	sadd.s32 s22, s12;
	s22 =	smov.u32 s25;
	[sflag:s15] =	ssyncadd.s32 $0xFFFFFF80  }
0x4c: {  	[tilespmem:s16], [sflag:$0x2] =	stream.linear.gather [hbm4b:s23+s3], $0x80, $0x38;
	[tilespmem:$0x1C100] =	vst v63  }
0x4d: {  	_ =	swait.ge [sflag:s15], $0x80  }
0x4e: {  	[sflag:s15] =	ssyncset.done $0x0  }
0x4f: {  	[sflag:s15] =	ssyncadd.s32 $0xFFFFFF80  }
0x50: {  	[tilespmem:s17], [sflag:$0x1] =	stream.indirect.gather [hbm4b:s4+s16], $0x80, s3, s16, $0xb8;
	[tilespmem:$0x1C100] =	vst v63  }
0x51: {  	_ =	swait.ge [sflag:s18], $0x4000  }
.Ltmp1:
0x52: {  	[sflag:s18] =	ssyncset.done $0x0;
	(pc) =	sbr.rel @p0 .LBB2_4-.Ltmp1, $4  }
0x53: {  	[sflag:s18] =	ssyncadd.s32 $0xFFFFC000  }
0x54: {  	[spmem:s1] =	stream.indirect.scatter.add.f32 [tilespmem:s17], [sflag:$0x2], $0x80, s16, s16, $0xb8;
	[tilespmem:$0x1C100] =	vst v63  }
0x55: {  	_ =	swait.ge [sflag:s15], $0x4000  }
0x56: {  	s23 =	smov.u32 s26;
	[sflag:s15] =	ssyncset.done $0x0  }
0x57: {  	s23 =	sadd.s32 s22, s13;
	[sflag:s15] =	ssyncadd.s32 $0xFFFFC000  }
0x58: {  	[tilespmem:s3], [sflag:$0x2] =	stream.linear.gather [hbm4b:s23+s3], $0x80, $0x38;
	[tilespmem:$0x1C100] =	vst v63  }
0x59: {  	_ =	swait.ge [sflag:s15], $0x80  }
0x5a: {  	[sflag:s15] =	ssyncset.done $0x0  }
0x5b: {  	s31 =	sadd.s32 s22, s12;
	[sflag:s15] =	ssyncadd.s32 $0xFFFFFF80  }
0x5c: {  	[tilespmem:s16], [sflag:$0x2] =	stream.linear.gather [hbm4b:s31+s3], $0x80, $0x38;
	[tilespmem:$0x1C100] =	vst v63  }
0x5d: {  	_ =	swait.ge [sflag:s15], $0x80  }
0x5e: {  	[sflag:s15] =	ssyncset.done $0x0  }
0x5f: {  	[sflag:s15] =	ssyncadd.s32 $0xFFFFFF80  }
0x60: {  	[tilespmem:s17], [sflag:$0x1] =	stream.indirect.gather [hbm4b:s4+s16], $0x80, s3, s16, $0xb8;
	[tilespmem:$0x1C100] =	vst v63  }
0x61: {  	_ =	swait.ge [sflag:s18], $0x4000  }
0x62: {  	[sflag:s18] =	ssyncset.done $0x0  }
0x63: {  	[sflag:s18] =	ssyncadd.s32 $0xFFFFC000  }
0x64: {  	[spmem:s1] =	stream.indirect.scatter.add.f32 [tilespmem:s17], [sflag:$0x2], $0x80, s16, s16, $0xb8;
	[tilespmem:$0x1C100] =	vst v63  }
0x65: {  	_ =	swait.ge [sflag:s15], $0x4000  }
0x66: {  	s21 =	sadd.s32 $0x1, s21;
	[sflag:s15] =	ssyncset.done $0x0  }
0x67: {  	p0 =	sne.s32 s21, s11;
	[sflag:s15] =	ssyncadd.s32 $0xFFFFC000  }
.Ltmp2:
0x68: {  	[bflag:$0x0] =	sbarrier.arrive $0xFFFF;
	(pc) =	sbr.rel @p0 .LBB2_1-.Ltmp2, $4  }
0x69: {  	[hbm:s10], [sflag:s19] =	dma.local [spmem:s20], $0x2800  }
0x6a: {  	_ =	swait.ge [sflag:s15], $0x2800  }
0x6b: {  	[sflag:s15] =	ssyncset.done $0x0  }
0x6c: {  	[sflag:s15] =	ssyncadd.s32 $0xFFFFD800  }
0x6d: {  	_ =	sfence.sel $0x180000  }
0x6e: {  	[bflag:$0x0] =	sbarrier.arrive $0xFFFF  }
0x6f: {  	p0 =	sne.s32 s2, $0x0;
	_ =	strace $0x90000050  }
0x70: {  	s0 =	sadd.s32 @!p0 $0x100000, s0;
	[bflag:$0x2] =	sbarrier.arrive $0xFFFF  }
0x71: {  	[sflag:s0] =	ssyncadd.tile.s32 @!p0 $0x1;
	_ =	shalt  }
.Lfunc_end2:
_tile_overlayer_lowered:
.L_overlay_start_2:
0x72: {  	(tag) =	ssettag $0x2  }
0x73: {  	s0 =	rddreg [dreg:$0x0];
	s2 =	stileid.u32  }
0x74: {  	s1 =	rddreg [dreg:$0x1];
	p0 =	sne.s32 s2, $0x0  }
0x75: {  	s3 =	rddreg [dreg:$0x2];
	[bflag:$0x3] =	sbarrier.arrive $0xFFFF;
	s2 =	simm.s32 @!p0 $0x1C02  }
0x76: {  	[timem:s3], [sflag:s2] =	dma.local @!p0 [hbm:s0], s1  }
0x77: {  	s0 =	simm.s32 @!p0 $0x2  }
0x78: {  	_ =	swait.ge @!p0 [sflag:s0], s1  }
0x79: {  	s1 =	ssub.s32 @!p0 $0x0, s1;
	[sflag:s0] =	ssyncset.done @!p0 $0x0  }
0x7a: {  	[sflag:s0] =	ssyncadd.s32 @!p0 s1  }
0x7b: {  	[bflag:$0x3] =	sbarrier.arrive $0xFFFF  }
0x7c: {  	_ =	shalt  }

</sc_bundles>
